<compile_context>
chip_gen: v7x
topology: tpu7x:2x2x1
jax: 0.10.2.dev20260603
libtpu: 0.0.44.dev20260713+nightly
codegen_flags: <defaults>
</compile_context>

<pallas_src>
import functools

import jax
import jax.numpy as jnp
from jax import lax
from jax.experimental import pallas as pl
from jax.experimental.pallas import tpu as pltpu
from jax.experimental.pallas import tpu_sc as plsc

B = 16384
D = 128
NC = 2
NS = 16
NW = NC * NS
PER_W = B // NW
CHUNK = 128
CHUNKS = PER_W // CHUNK


SEG = 256
SEG_CHUNKS = SEG // CHUNK
NSEG = 2 * PER_W // SEG


def _gather_body(n, uidx_hbm, iidx_hbm, utab_hbm, itab_hbm, out_u, out_i,
                 uidx_v, iidx_v, rows_a, rows_b, gsem_a, gsem_b,
                 osem_a, osem_b):
    per_w = n // NW
    wid = lax.axis_index("s") * NC + lax.axis_index("c")
    base = wid * per_w
    hu = pltpu.async_copy(uidx_hbm.at[pl.ds(base, per_w)],
                          uidx_v.at[pl.ds(0, per_w)], gsem_a)
    hi = pltpu.async_copy(iidx_hbm.at[pl.ds(base, per_w)],
                          iidx_v.at[pl.ds(0, per_w)], gsem_b)
    hu.wait()
    hi.wait()
    bufs = [rows_a, rows_b]
    gsems = [gsem_a, gsem_b]
    osems = [osem_a, osem_b]
    segs = []
    for idxv, tab, outref in ((uidx_v, utab_hbm, out_u),
                              (iidx_v, itab_hbm, out_i)):
        for s in range(per_w // SEG):
            segs.append((idxv, tab, s * SEG_CHUNKS, outref, base + s * SEG))
    nseg = len(segs)
    gh = [None] * nseg
    oh = [None] * nseg
    for k in range(nseg + 1):
        if k < nseg:
            if k >= 2:
                oh[k - 2].wait()
            idxv, tab, coff, _, _ = segs[k]
            b = k % 2
            gh[k] = [pltpu.async_copy(
                tab.at[idxv.at[pl.ds((coff + j) * CHUNK, CHUNK)]],
                bufs[b].at[pl.ds(j * CHUNK, CHUNK)], gsems[b])
                for j in range(SEG_CHUNKS)]
        if k >= 1:
            p = k - 1
            for h in gh[p]:
                h.wait()
            _, _, _, outref, roff = segs[p]
            oh[p] = pltpu.async_copy(bufs[p % 2], outref.at[pl.ds(roff, SEG)],
                                     osems[p % 2])
    if nseg >= 2:
        oh[nseg - 2].wait()
    oh[nseg - 1].wait()


def _gather(uidx, iidx, utab, itab):
    n = uidx.shape[0]
    mesh = plsc.VectorSubcoreMesh(core_axis_name="c", subcore_axis_name="s")
    k = functools.partial(
        pl.kernel,
        mesh=mesh,
        out_type=[jax.ShapeDtypeStruct((n, D), jnp.float32),
                  jax.ShapeDtypeStruct((n, D), jnp.float32)],
        scratch_types=[
            pltpu.VMEM((PER_W,), jnp.int32),
            pltpu.VMEM((PER_W,), jnp.int32),
            pltpu.VMEM((SEG, D), jnp.float32),
            pltpu.VMEM((SEG, D), jnp.float32),
            pltpu.SemaphoreType.DMA,
            pltpu.SemaphoreType.DMA,
            pltpu.SemaphoreType.DMA,
            pltpu.SemaphoreType.DMA,
        ],
    )(functools.partial(_gather_body, n))
    return k(uidx, iidx, utab, itab)


def _mlp_body(eu, ei, w1a, w1b, b1, w2, b2, wp, bp, out):
    x = (jnp.dot(eu[...], w1a[...], preferred_element_type=jnp.float32)
         + jnp.dot(ei[...], w1b[...], preferred_element_type=jnp.float32)
         + b1[...])
    h = jnp.maximum(x, 0.0)
    h2 = jnp.maximum(
        jnp.dot(h, w2[...], preferred_element_type=jnp.float32) + b2[...], 0.0)
    out[...] = (jnp.dot(wp[...], h2.T, preferred_element_type=jnp.float32)
                + bp[0, 0])[None]


def _mlp(eu, ei, w1a, w1b, b1, w2, b2, wp, bp):
    n = eu.shape[0]
    BLK = 4096
    grid = (n // BLK,)
    full = lambda i: (0, 0)
    return pl.pallas_call(
        _mlp_body,
        grid=grid,
        in_specs=[
            pl.BlockSpec((BLK, D), lambda i: (i, 0)),
            pl.BlockSpec((BLK, D), lambda i: (i, 0)),
            pl.BlockSpec((D, 64), full),
            pl.BlockSpec((D, 64), full),
            pl.BlockSpec((1, 64), full),
            pl.BlockSpec((64, 16), full),
            pl.BlockSpec((1, 16), full),
            pl.BlockSpec((1, 16), full),
            pl.BlockSpec((1, 1), full),
        ],
        out_specs=pl.BlockSpec((1, 1, BLK), lambda i: (i, 0, 0)),
        out_shape=jax.ShapeDtypeStruct((n // BLK, 1, BLK), jnp.float32),
        compiler_params=pltpu.CompilerParams(
            dimension_semantics=("parallel",)),
    )(eu, ei, w1a, w1b, b1, w2, b2, wp, bp)


def kernel(user, item, embed_user, embed_item, W1, b1, W2, b2, Wp, bp):
    user = user.astype(jnp.int32)
    item = item.astype(jnp.int32)
    w1a = W1[:D]
    w1b = W1[D:]
    b1r = b1.reshape(1, 64)
    b2r = b2.reshape(1, 16)
    wpr = Wp.reshape(1, 16)
    bpr = bp.reshape(1, 1)
    h = B // 2
    preds = []
    for lo in (0, h):
        eu, ei = _gather(lax.dynamic_slice_in_dim(user, lo, h),
                         lax.dynamic_slice_in_dim(item, lo, h),
                         embed_user, embed_item)
        preds.append(_mlp(eu, ei, w1a, w1b, b1r, W2, b2r, wpr, bpr))
    return jnp.concatenate(preds).reshape(-1)

# --- scband reference (transcript-rebuilt; emitter-appended) ---
"""Pipeline reference for scband-net-26268019982764 (READ-ONLY COPY).

The authoritative reference and input builder live on the scoring server;
editing this copy changes nothing except your own understanding.
"""

import jax, jax.numpy as jnp
import numpy as np

USER_NUM = 1000000
ITEM_NUM = 1000000
EMB = 128
B = 16384


def setup_inputs(seed: int = 0) -> dict:
    key = jax.random.key(seed)
    ks = jax.random.split(key, 10)
    user = jax.random.randint(ks[0], (B,), 0, USER_NUM, dtype=jnp.int64) if jax.config.jax_enable_x64 else jax.random.randint(ks[0], (B,), 0, USER_NUM, dtype=jnp.int32)
    item = jax.random.randint(ks[1], (B,), 0, ITEM_NUM, dtype=jnp.int32)
    embed_user = jax.random.normal(ks[2], (USER_NUM, EMB), dtype=jnp.float32) * 0.01
    embed_item = jax.random.normal(ks[3], (ITEM_NUM, EMB), dtype=jnp.float32) * 0.01
    W1 = jax.random.normal(ks[4], (256, 64), dtype=jnp.float32) * 0.05
    b1 = jnp.zeros((64,), dtype=jnp.float32)
    W2 = jax.random.normal(ks[5], (64, 16), dtype=jnp.float32) * 0.05
    b2 = jnp.zeros((16,), dtype=jnp.float32)
    Wp = jax.random.normal(ks[6], (16, 1), dtype=jnp.float32) * 0.05
    bp = jnp.zeros((1,), dtype=jnp.float32)
    return {"user": user, "item": item, "embed_user": embed_user, "embed_item": embed_item,
            "W1": W1, "b1": b1, "W2": W2, "b2": b2, "Wp": Wp, "bp": bp}


def reference(user, item, embed_user, embed_item, W1, b1, W2, b2, Wp, bp):
    # embedding lookups (gather)
    eu = jnp.take(embed_user, user, axis=0)
    ei = jnp.take(embed_item, item, axis=0)
    interaction = jnp.concatenate([eu, ei], axis=-1)
    # fc_layers: Linear(256,64) + ReLU, Linear(64,16) + ReLU (dropout p=0 -> identity)
    h = jnp.maximum(interaction @ W1 + b1, 0.0)
    h = jnp.maximum(h @ W2 + b2, 0.0)
    # predict layer
    pred = h @ Wp + bp
    return pred.reshape(-1)

if __name__ == "__main__":
    import jax
    _d = setup_inputs()
    print(jax.jit(kernel)(*tuple(_d.values())))

</pallas_src>

<mosaic_0001>
#map = affine_map<(d0, d1) -> (0)>
#map1 = affine_map<(d0, d1) -> (0, 0)>
module attributes {stable_mosaic.version = 14 : i64} {
  func.func @_gather_body(%arg0: i32, %arg1: i32, %arg2: memref<8192xi32, #tpu.memory_space<hbm>>, %arg3: memref<8192xi32, #tpu.memory_space<hbm>>, %arg4: memref<1000000x128xf32, #tpu.memory_space<hbm>>, %arg5: memref<1000000x128xf32, #tpu.memory_space<hbm>>, %arg6: memref<8192x128xf32, #tpu.memory_space<hbm>>, %arg7: memref<8192x128xf32, #tpu.memory_space<hbm>>, %arg8: memref<512xi32, #tpu.memory_space<vmem>>, %arg9: memref<512xi32, #tpu.memory_space<vmem>>, %arg10: memref<256x128xf32, #tpu.memory_space<vmem>>, %arg11: memref<256x128xf32, #tpu.memory_space<vmem>>, %arg12: memref<!tpu.dma_semaphore, #tpu.memory_space<semaphore_mem>>, %arg13: memref<!tpu.dma_semaphore, #tpu.memory_space<semaphore_mem>>, %arg14: memref<!tpu.dma_semaphore, #tpu.memory_space<semaphore_mem>>, %arg15: memref<!tpu.dma_semaphore, #tpu.memory_space<semaphore_mem>>) attributes {dimension_semantics = [#tpu.dimension_semantics<core_parallel>, #tpu.dimension_semantics<subcore_parallel>], iteration_bounds = array<i64: 2, 16>, scalar_prefetch = 0 : i64, scratch_operands = 8 : i64, tpu.core_type = #tpu.core_type<sc_vector_subcore>, window_params = [{transform_indices = #map}, {transform_indices = #map}, {transform_indices = #map1}, {transform_indices = #map1}, {transform_indices = #map1}, {transform_indices = #map1}]} {
    %mul3A = arith.constant 2 : i32
    %mul3A_0 = arith.muli %arg1, %mul3A : i32
    %add3A = arith.addi %mul3A_0, %arg0 : i32
    %mul3A_1 = arith.constant 256 : i32
    %mul3A_2 = arith.muli %add3A, %mul3A_1 : i32
    %dma_start3A = arith.constant 0 : i32
    %dma_start3A_3 = tpu.memref_slice %arg8[%dma_start3A] : memref<512xi32, #tpu.memory_space<vmem>> -> memref<256xi32, #tpu.memory_space<vmem>>
    %dma_start3A_4 = tpu.memref_slice %arg2[%mul3A_2] : memref<8192xi32, #tpu.memory_space<hbm>> -> memref<256xi32, #tpu.memory_space<hbm>>
    %dma_start3A_5 = arith.constant 0 : i32
    %dma_start3A_6 = tpu.memref_slice %arg8[%dma_start3A_5] : memref<512xi32, #tpu.memory_space<vmem>> -> memref<256xi32, #tpu.memory_space<vmem>>
    %dma_start3A_7 = tpu.memref_slice %arg2[%mul3A_2] : memref<8192xi32, #tpu.memory_space<hbm>> -> memref<256xi32, #tpu.memory_space<hbm>>
    tpu.enqueue_dma source(%dma_start3A_7 : memref<256xi32, #tpu.memory_space<hbm>>) target(%dma_start3A_6 : memref<256xi32, #tpu.memory_space<vmem>>) target_semaphore(%arg12 : memref<!tpu.dma_semaphore, #tpu.memory_space<semaphore_mem>>)
    %dma_start3A_8 = arith.constant 0 : i32
    %dma_start3A_9 = tpu.memref_slice %arg9[%dma_start3A_8] : memref<512xi32, #tpu.memory_space<vmem>> -> memref<256xi32, #tpu.memory_space<vmem>>
    %dma_start3A_10 = tpu.memref_slice %arg3[%mul3A_2] : memref<8192xi32, #tpu.memory_space<hbm>> -> memref<256xi32, #tpu.memory_space<hbm>>
    %dma_start3A_11 = arith.constant 0 : i32
    %dma_start3A_12 = tpu.memref_slice %arg9[%dma_start3A_11] : memref<512xi32, #tpu.memory_space<vmem>> -> memref<256xi32, #tpu.memory_space<vmem>>
    %dma_start3A_13 = tpu.memref_slice %arg3[%mul3A_2] : memref<8192xi32, #tpu.memory_space<hbm>> -> memref<256xi32, #tpu.memory_space<hbm>>
    tpu.enqueue_dma source(%dma_start3A_13 : memref<256xi32, #tpu.memory_space<hbm>>) target(%dma_start3A_12 : memref<256xi32, #tpu.memory_space<vmem>>) target_semaphore(%arg13 : memref<!tpu.dma_semaphore, #tpu.memory_space<semaphore_mem>>)
    %dma_wait3A = arith.constant 0 : i32
    %dma_wait3A_14 = tpu.memref_slice %arg8[%dma_wait3A] : memref<512xi32, #tpu.memory_space<vmem>> -> memref<256xi32, #tpu.memory_space<vmem>>
    %dma_wait3A_15 = tpu.memref_slice %arg2[%mul3A_2] : memref<8192xi32, #tpu.memory_space<hbm>> -> memref<256xi32, #tpu.memory_space<hbm>>
    %dma_wait3A_16 = arith.constant 0 : i32
    %dma_wait3A_17 = tpu.memref_slice %arg8[%dma_wait3A_16] : memref<512xi32, #tpu.memory_space<vmem>> -> memref<256xi32, #tpu.memory_space<vmem>>
    %dma_wait3A_18 = tpu.memref_slice %arg2[%mul3A_2] : memref<8192xi32, #tpu.memory_space<hbm>> -> memref<256xi32, #tpu.memory_space<hbm>>
    tpu.wait_dma2 semaphore(%arg12 : memref<!tpu.dma_semaphore, #tpu.memory_space<semaphore_mem>>) src(%dma_wait3A_18 : memref<256xi32, #tpu.memory_space<hbm>>) dst(%dma_wait3A_17 : memref<256xi32, #tpu.memory_space<vmem>>)
    %dma_wait3A_19 = arith.constant 0 : i32
    %dma_wait3A_20 = tpu.memref_slice %arg9[%dma_wait3A_19] : memref<512xi32, #tpu.memory_space<vmem>> -> memref<256xi32, #tpu.memory_space<vmem>>
    %dma_wait3A_21 = tpu.memref_slice %arg3[%mul3A_2] : memref<8192xi32, #tpu.memory_space<hbm>> -> memref<256xi32, #tpu.memory_space<hbm>>
    %dma_wait3A_22 = arith.constant 0 : i32
    %dma_wait3A_23 = tpu.memref_slice %arg9[%dma_wait3A_22] : memref<512xi32, #tpu.memory_space<vmem>> -> memref<256xi32, #tpu.memory_space<vmem>>
    %dma_wait3A_24 = tpu.memref_slice %arg3[%mul3A_2] : memref<8192xi32, #tpu.memory_space<hbm>> -> memref<256xi32, #tpu.memory_space<hbm>>
    tpu.wait_dma2 semaphore(%arg13 : memref<!tpu.dma_semaphore, #tpu.memory_space<semaphore_mem>>) src(%dma_wait3A_24 : memref<256xi32, #tpu.memory_space<hbm>>) dst(%dma_wait3A_23 : memref<256xi32, #tpu.memory_space<vmem>>)
    %add3A_25 = arith.constant 0 : i32
    %add3A_26 = arith.addi %mul3A_2, %add3A_25 : i32
    %add3A_27 = arith.constant 0 : i32
    %add3A_28 = arith.addi %mul3A_2, %add3A_27 : i32
    %dma_start3A_29 = arith.constant 0 : i32
    %dma_start3A_30 = arith.constant 0 : i32
    %dma_start3A_31 = tpu.memref_slice %arg10[%dma_start3A_29, %dma_start3A_30] : memref<256x128xf32, #tpu.memory_space<vmem>> -> memref<128x128xf32, #tpu.memory_space<vmem>>
    %dma_start3A_32 = arith.constant 0 : i32
    %dma_start3A_33 = tpu.memref_slice %arg8[%dma_start3A_32] : memref<512xi32, #tpu.memory_space<vmem>> -> memref<128xi32, #tpu.memory_space<vmem>>
    %dma_start3A_34 = arith.constant 0 : i32
    %dma_start3A_35 = arith.constant 0 : i32
    %dma_start3A_36 = tpu.memref_slice %arg4[%dma_start3A_34, %dma_start3A_35] : memref<1000000x128xf32, #tpu.memory_space<hbm>> -> memref<1000000x128xf32, #tpu.memory_space<hbm>>
    tpu.enqueue_indirect_dma source(%dma_start3A_36 : memref<1000000x128xf32, #tpu.memory_space<hbm>>) target(%dma_start3A_31 : memref<128x128xf32, #tpu.memory_space<vmem>>) offsets(%dma_start3A_33 : memref<128xi32, #tpu.memory_space<vmem>>) semaphore(%arg12 : memref<!tpu.dma_semaphore, #tpu.memory_space<semaphore_mem>>)
    %dma_start3A_37 = arith.constant 128 : i32
    %dma_start3A_38 = arith.constant 0 : i32
    %dma_start3A_39 = tpu.memref_slice %arg10[%dma_start3A_37, %dma_start3A_38] : memref<256x128xf32, #tpu.memory_space<vmem>> -> memref<128x128xf32, #tpu.memory_space<vmem>>
    %dma_start3A_40 = arith.constant 128 : i32
    %dma_start3A_41 = tpu.memref_slice %arg8[%dma_start3A_40] : memref<512xi32, #tpu.memory_space<vmem>> -> memref<128xi32, #tpu.memory_space<vmem>>
    %dma_start3A_42 = arith.constant 0 : i32
    %dma_start3A_43 = arith.constant 0 : i32
    %dma_start3A_44 = tpu.memref_slice %arg4[%dma_start3A_42, %dma_start3A_43] : memref<1000000x128xf32, #tpu.memory_space<hbm>> -> memref<1000000x128xf32, #tpu.memory_space<hbm>>
    tpu.enqueue_indirect_dma source(%dma_start3A_44 : memref<1000000x128xf32, #tpu.memory_space<hbm>>) target(%dma_start3A_39 : memref<128x128xf32, #tpu.memory_space<vmem>>) offsets(%dma_start3A_41 : memref<128xi32, #tpu.memory_space<vmem>>) semaphore(%arg12 : memref<!tpu.dma_semaphore, #tpu.memory_space<semaphore_mem>>)
    %dma_start3A_45 = arith.constant 0 : i32
    %dma_start3A_46 = arith.constant 0 : i32
    %dma_start3A_47 = tpu.memref_slice %arg11[%dma_start3A_45, %dma_start3A_46] : memref<256x128xf32, #tpu.memory_space<vmem>> -> memref<128x128xf32, #tpu.memory_space<vmem>>
    %dma_start3A_48 = arith.constant 0 : i32
    %dma_start3A_49 = tpu.memref_slice %arg9[%dma_start3A_48] : memref<512xi32, #tpu.memory_space<vmem>> -> memref<128xi32, #tpu.memory_space<vmem>>
    %dma_start3A_50 = arith.constant 0 : i32
    %dma_start3A_51 = arith.constant 0 : i32
    %dma_start3A_52 = tpu.memref_slice %arg5[%dma_start3A_50, %dma_start3A_51] : memref<1000000x128xf32, #tpu.memory_space<hbm>> -> memref<1000000x128xf32, #tpu.memory_space<hbm>>
    tpu.enqueue_indirect_dma source(%dma_start3A_52 : memref<1000000x128xf32, #tpu.memory_space<hbm>>) target(%dma_start3A_47 : memref<128x128xf32, #tpu.memory_space<vmem>>) offsets(%dma_start3A_49 : memref<128xi32, #tpu.memory_space<vmem>>) semaphore(%arg13 : memref<!tpu.dma_semaphore, #tpu.memory_space<semaphore_mem>>)
    %dma_start3A_53 = arith.constant 128 : i32
    %dma_start3A_54 = arith.constant 0 : i32
    %dma_start3A_55 = tpu.memref_slice %arg11[%dma_start3A_53, %dma_start3A_54] : memref<256x128xf32, #tpu.memory_space<vmem>> -> memref<128x128xf32, #tpu.memory_space<vmem>>
    %dma_start3A_56 = arith.constant 128 : i32
    %dma_start3A_57 = tpu.memref_slice %arg9[%dma_start3A_56] : memref<512xi32, #tpu.memory_space<vmem>> -> memref<128xi32, #tpu.memory_space<vmem>>
    %dma_start3A_58 = arith.constant 0 : i32
    %dma_start3A_59 = arith.constant 0 : i32
    %dma_start3A_60 = tpu.memref_slice %arg5[%dma_start3A_58, %dma_start3A_59] : memref<1000000x128xf32, #tpu.memory_space<hbm>> -> memref<1000000x128xf32, #tpu.memory_space<hbm>>
    tpu.enqueue_indirect_dma source(%dma_start3A_60 : memref<1000000x128xf32, #tpu.memory_space<hbm>>) target(%dma_start3A_55 : memref<128x128xf32, #tpu.memory_space<vmem>>) offsets(%dma_start3A_57 : memref<128xi32, #tpu.memory_space<vmem>>) semaphore(%arg13 : memref<!tpu.dma_semaphore, #tpu.memory_space<semaphore_mem>>)
    %dma_wait3A_61 = arith.constant 0 : i32
    %dma_wait3A_62 = arith.constant 0 : i32
    %dma_wait3A_63 = tpu.memref_slice %arg10[%dma_wait3A_61, %dma_wait3A_62] : memref<256x128xf32, #tpu.memory_space<vmem>> -> memref<128x128xf32, #tpu.memory_space<vmem>>
    %dma_wait3A_64 = arith.constant 0 : i32
    %dma_wait3A_65 = tpu.memref_slice %arg8[%dma_wait3A_64] : memref<512xi32, #tpu.memory_space<vmem>> -> memref<128xi32, #tpu.memory_space<vmem>>
    %dma_wait3A_66 = arith.constant 0 : i32
    %dma_wait3A_67 = arith.constant 0 : i32
    %dma_wait3A_68 = tpu.memref_slice %arg4[%dma_wait3A_66, %dma_wait3A_67] : memref<1000000x128xf32, #tpu.memory_space<hbm>> -> memref<1000000x128xf32, #tpu.memory_space<hbm>>
    tpu.wait_indirect_dma semaphore(%arg12 : memref<!tpu.dma_semaphore, #tpu.memory_space<semaphore_mem>>) src(%dma_wait3A_68 : memref<1000000x128xf32, #tpu.memory_space<hbm>>) dst(%dma_wait3A_63 : memref<128x128xf32, #tpu.memory_space<vmem>>)
    %dma_wait3A_69 = arith.constant 128 : i32
    %dma_wait3A_70 = arith.constant 0 : i32
    %dma_wait3A_71 = tpu.memref_slice %arg10[%dma_wait3A_69, %dma_wait3A_70] : memref<256x128xf32, #tpu.memory_space<vmem>> -> memref<128x128xf32, #tpu.memory_space<vmem>>
    %dma_wait3A_72 = arith.constant 128 : i32
    %dma_wait3A_73 = tpu.memref_slice %arg8[%dma_wait3A_72] : memref<512xi32, #tpu.memory_space<vmem>> -> memref<128xi32, #tpu.memory_space<vmem>>
    %dma_wait3A_74 = arith.constant 0 : i32
    %dma_wait3A_75 = arith.constant 0 : i32
    %dma_wait3A_76 = tpu.memref_slice %arg4[%dma_wait3A_74, %dma_wait3A_75] : memref<1000000x128xf32, #tpu.memory_space<hbm>> -> memref<1000000x128xf32, #tpu.memory_space<hbm>>
    tpu.wait_indirect_dma semaphore(%arg12 : memref<!tpu.dma_semaphore, #tpu.memory_space<semaphore_mem>>) src(%dma_wait3A_76 : memref<1000000x128xf32, #tpu.memory_space<hbm>>) dst(%dma_wait3A_71 : memref<128x128xf32, #tpu.memory_space<vmem>>)
    %dma_start3A_77 = arith.constant 0 : i32
    %dma_start3A_78 = tpu.memref_slice %arg6[%add3A_26, %dma_start3A_77] : memref<8192x128xf32, #tpu.memory_space<hbm>> -> memref<256x128xf32, #tpu.memory_space<hbm>>
    %dma_start3A_79 = arith.constant 0 : i32
    %dma_start3A_80 = tpu.memref_slice %arg6[%add3A_26, %dma_start3A_79] : memref<8192x128xf32, #tpu.memory_space<hbm>> -> memref<256x128xf32, #tpu.memory_space<hbm>>
    tpu.enqueue_dma source(%arg10 : memref<256x128xf32, #tpu.memory_space<vmem>>) target(%dma_start3A_80 : memref<256x128xf32, #tpu.memory_space<hbm>>) target_semaphore(%arg14 : memref<!tpu.dma_semaphore, #tpu.memory_space<semaphore_mem>>)
    %dma_wait3A_81 = arith.constant 0 : i32
    %dma_wait3A_82 = arith.constant 0 : i32
    %dma_wait3A_83 = tpu.memref_slice %arg11[%dma_wait3A_81, %dma_wait3A_82] : memref<256x128xf32, #tpu.memory_space<vmem>> -> memref<128x128xf32, #tpu.memory_space<vmem>>
    %dma_wait3A_84 = arith.constant 0 : i32
    %dma_wait3A_85 = tpu.memref_slice %arg9[%dma_wait3A_84] : memref<512xi32, #tpu.memory_space<vmem>> -> memref<128xi32, #tpu.memory_space<vmem>>
    %dma_wait3A_86 = arith.constant 0 : i32
    %dma_wait3A_87 = arith.constant 0 : i32
    %dma_wait3A_88 = tpu.memref_slice %arg5[%dma_wait3A_86, %dma_wait3A_87] : memref<1000000x128xf32, #tpu.memory_space<hbm>> -> memref<1000000x128xf32, #tpu.memory_space<hbm>>
    tpu.wait_indirect_dma semaphore(%arg13 : memref<!tpu.dma_semaphore, #tpu.memory_space<semaphore_mem>>) src(%dma_wait3A_88 : memref<1000000x128xf32, #tpu.memory_space<hbm>>) dst(%dma_wait3A_83 : memref<128x128xf32, #tpu.memory_space<vmem>>)
    %dma_wait3A_89 = arith.constant 128 : i32
    %dma_wait3A_90 = arith.constant 0 : i32
    %dma_wait3A_91 = tpu.memref_slice %arg11[%dma_wait3A_89, %dma_wait3A_90] : memref<256x128xf32, #tpu.memory_space<vmem>> -> memref<128x128xf32, #tpu.memory_space<vmem>>
    %dma_wait3A_92 = arith.constant 128 : i32
    %dma_wait3A_93 = tpu.memref_slice %arg9[%dma_wait3A_92] : memref<512xi32, #tpu.memory_space<vmem>> -> memref<128xi32, #tpu.memory_space<vmem>>
    %dma_wait3A_94 = arith.constant 0 : i32
    %dma_wait3A_95 = arith.constant 0 : i32
    %dma_wait3A_96 = tpu.memref_slice %arg5[%dma_wait3A_94, %dma_wait3A_95] : memref<1000000x128xf32, #tpu.memory_space<hbm>> -> memref<1000000x128xf32, #tpu.memory_space<hbm>>
    tpu.wait_indirect_dma semaphore(%arg13 : memref<!tpu.dma_semaphore, #tpu.memory_space<semaphore_mem>>) src(%dma_wait3A_96 : memref<1000000x128xf32, #tpu.memory_space<hbm>>) dst(%dma_wait3A_91 : memref<128x128xf32, #tpu.memory_space<vmem>>)
    %dma_start3A_97 = arith.constant 0 : i32
    %dma_start3A_98 = tpu.memref_slice %arg7[%add3A_28, %dma_start3A_97] : memref<8192x128xf32, #tpu.memory_space<hbm>> -> memref<256x128xf32, #tpu.memory_space<hbm>>
    %dma_start3A_99 = arith.constant 0 : i32
    %dma_start3A_100 = tpu.memref_slice %arg7[%add3A_28, %dma_start3A_99] : memref<8192x128xf32, #tpu.memory_space<hbm>> -> memref<256x128xf32, #tpu.memory_space<hbm>>
    tpu.enqueue_dma source(%arg11 : memref<256x128xf32, #tpu.memory_space<vmem>>) target(%dma_start3A_100 : memref<256x128xf32, #tpu.memory_space<hbm>>) target_semaphore(%arg15 : memref<!tpu.dma_semaphore, #tpu.memory_space<semaphore_mem>>)
    %dma_wait3A_101 = arith.constant 0 : i32
    %dma_wait3A_102 = tpu.memref_slice %arg6[%add3A_26, %dma_wait3A_101] : memref<8192x128xf32, #tpu.memory_space<hbm>> -> memref<256x128xf32, #tpu.memory_space<hbm>>
    %dma_wait3A_103 = arith.constant 0 : i32
    %dma_wait3A_104 = tpu.memref_slice %arg6[%add3A_26, %dma_wait3A_103] : memref<8192x128xf32, #tpu.memory_space<hbm>> -> memref<256x128xf32, #tpu.memory_space<hbm>>
    tpu.wait_dma2 semaphore(%arg14 : memref<!tpu.dma_semaphore, #tpu.memory_space<semaphore_mem>>) src(%arg10 : memref<256x128xf32, #tpu.memory_space<vmem>>) dst(%dma_wait3A_104 : memref<256x128xf32, #tpu.memory_space<hbm>>)
    %dma_wait3A_105 = arith.constant 0 : i32
    %dma_wait3A_106 = tpu.memref_slice %arg7[%add3A_28, %dma_wait3A_105] : memref<8192x128xf32, #tpu.memory_space<hbm>> -> memref<256x128xf32, #tpu.memory_space<hbm>>
    %dma_wait3A_107 = arith.constant 0 : i32
    %dma_wait3A_108 = tpu.memref_slice %arg7[%add3A_28, %dma_wait3A_107] : memref<8192x128xf32, #tpu.memory_space<hbm>> -> memref<256x128xf32, #tpu.memory_space<hbm>>
    tpu.wait_dma2 semaphore(%arg15 : memref<!tpu.dma_semaphore, #tpu.memory_space<semaphore_mem>>) src(%arg11 : memref<256x128xf32, #tpu.memory_space<vmem>>) dst(%dma_wait3A_108 : memref<256x128xf32, #tpu.memory_space<hbm>>)
    return
  }
}

#map = affine_map<(d0, d1) -> (0)>
#map1 = affine_map<(d0, d1) -> (0, 0)>
module attributes {stable_mosaic.version = 14 : i64} {
  func.func @_gather_body(%arg0: i32, %arg1: i32, %arg2: memref<8192xi32, #tpu.memory_space<hbm>>, %arg3: memref<8192xi32, #tpu.memory_space<hbm>>, %arg4: memref<1000000x128xf32, #tpu.memory_space<hbm>>, %arg5: memref<1000000x128xf32, #tpu.memory_space<hbm>>, %arg6: memref<8192x128xf32, #tpu.memory_space<hbm>>, %arg7: memref<8192x128xf32, #tpu.memory_space<hbm>>, %arg8: memref<512xi32, #tpu.memory_space<vmem>>, %arg9: memref<512xi32, #tpu.memory_space<vmem>>, %arg10: memref<256x128xf32, #tpu.memory_space<vmem>>, %arg11: memref<256x128xf32, #tpu.memory_space<vmem>>, %arg12: memref<!tpu.dma_semaphore, #tpu.memory_space<semaphore_mem>>, %arg13: memref<!tpu.dma_semaphore, #tpu.memory_space<semaphore_mem>>, %arg14: memref<!tpu.dma_semaphore, #tpu.memory_space<semaphore_mem>>, %arg15: memref<!tpu.dma_semaphore, #tpu.memory_space<semaphore_mem>>) attributes {dimension_semantics = [#tpu.dimension_semantics<core_parallel>, #tpu.dimension_semantics<subcore_parallel>], iteration_bounds = array<i64: 2, 16>, scalar_prefetch = 0 : i64, scratch_operands = 8 : i64, tpu.core_type = #tpu.core_type<sc_vector_subcore>, window_params = [{transform_indices = #map}, {transform_indices = #map}, {transform_indices = #map1}, {transform_indices = #map1}, {transform_indices = #map1}, {transform_indices = #map1}]} {
    %mul3A = arith.constant 2 : i32
    %mul3A_0 = arith.muli %arg1, %mul3A : i32
    %add3A = arith.addi %mul3A_0, %arg0 : i32
    %mul3A_1 = arith.constant 256 : i32
    %mul3A_2 = arith.muli %add3A, %mul3A_1 : i32
    %dma_start3A = arith.constant 0 : i32
    %dma_start3A_3 = tpu.memref_slice %arg8[%dma_start3A] : memref<512xi32, #tpu.memory_space<vmem>> -> memref<256xi32, #tpu.memory_space<vmem>>
    %dma_start3A_4 = tpu.memref_slice %arg2[%mul3A_2] : memref<8192xi32, #tpu.memory_space<hbm>> -> memref<256xi32, #tpu.memory_space<hbm>>
    %dma_start3A_5 = arith.constant 0 : i32
    %dma_start3A_6 = tpu.memref_slice %arg8[%dma_start3A_5] : memref<512xi32, #tpu.memory_space<vmem>> -> memref<256xi32, #tpu.memory_space<vmem>>
    %dma_start3A_7 = tpu.memref_slice %arg2[%mul3A_2] : memref<8192xi32, #tpu.memory_space<hbm>> -> memref<256xi32, #tpu.memory_space<hbm>>
    tpu.enqueue_dma source(%dma_start3A_7 : memref<256xi32, #tpu.memory_space<hbm>>) target(%dma_start3A_6 : memref<256xi32, #tpu.memory_space<vmem>>) target_semaphore(%arg12 : memref<!tpu.dma_semaphore, #tpu.memory_space<semaphore_mem>>)
    %dma_start3A_8 = arith.constant 0 : i32
    %dma_start3A_9 = tpu.memref_slice %arg9[%dma_start3A_8] : memref<512xi32, #tpu.memory_space<vmem>> -> memref<256xi32, #tpu.memory_space<vmem>>
    %dma_start3A_10 = tpu.memref_slice %arg3[%mul3A_2] : memref<8192xi32, #tpu.memory_space<hbm>> -> memref<256xi32, #tpu.memory_space<hbm>>
    %dma_start3A_11 = arith.constant 0 : i32
    %dma_start3A_12 = tpu.memref_slice %arg9[%dma_start3A_11] : memref<512xi32, #tpu.memory_space<vmem>> -> memref<256xi32, #tpu.memory_space<vmem>>
    %dma_start3A_13 = tpu.memref_slice %arg3[%mul3A_2] : memref<8192xi32, #tpu.memory_space<hbm>> -> memref<256xi32, #tpu.memory_space<hbm>>
    tpu.enqueue_dma source(%dma_start3A_13 : memref<256xi32, #tpu.memory_space<hbm>>) target(%dma_start3A_12 : memref<256xi32, #tpu.memory_space<vmem>>) target_semaphore(%arg13 : memref<!tpu.dma_semaphore, #tpu.memory_space<semaphore_mem>>)
    %dma_wait3A = arith.constant 0 : i32
    %dma_wait3A_14 = tpu.memref_slice %arg8[%dma_wait3A] : memref<512xi32, #tpu.memory_space<vmem>> -> memref<256xi32, #tpu.memory_space<vmem>>
    %dma_wait3A_15 = tpu.memref_slice %arg2[%mul3A_2] : memref<8192xi32, #tpu.memory_space<hbm>> -> memref<256xi32, #tpu.memory_space<hbm>>
    %dma_wait3A_16 = arith.constant 0 : i32
    %dma_wait3A_17 = tpu.memref_slice %arg8[%dma_wait3A_16] : memref<512xi32, #tpu.memory_space<vmem>> -> memref<256xi32, #tpu.memory_space<vmem>>
    %dma_wait3A_18 = tpu.memref_slice %arg2[%mul3A_2] : memref<8192xi32, #tpu.memory_space<hbm>> -> memref<256xi32, #tpu.memory_space<hbm>>
    tpu.wait_dma2 semaphore(%arg12 : memref<!tpu.dma_semaphore, #tpu.memory_space<semaphore_mem>>) src(%dma_wait3A_18 : memref<256xi32, #tpu.memory_space<hbm>>) dst(%dma_wait3A_17 : memref<256xi32, #tpu.memory_space<vmem>>)
    %dma_wait3A_19 = arith.constant 0 : i32
    %dma_wait3A_20 = tpu.memref_slice %arg9[%dma_wait3A_19] : memref<512xi32, #tpu.memory_space<vmem>> -> memref<256xi32, #tpu.memory_space<vmem>>
    %dma_wait3A_21 = tpu.memref_slice %arg3[%mul3A_2] : memref<8192xi32, #tpu.memory_space<hbm>> -> memref<256xi32, #tpu.memory_space<hbm>>
    %dma_wait3A_22 = arith.constant 0 : i32
    %dma_wait3A_23 = tpu.memref_slice %arg9[%dma_wait3A_22] : memref<512xi32, #tpu.memory_space<vmem>> -> memref<256xi32, #tpu.memory_space<vmem>>
    %dma_wait3A_24 = tpu.memref_slice %arg3[%mul3A_2] : memref<8192xi32, #tpu.memory_space<hbm>> -> memref<256xi32, #tpu.memory_space<hbm>>
    tpu.wait_dma2 semaphore(%arg13 : memref<!tpu.dma_semaphore, #tpu.memory_space<semaphore_mem>>) src(%dma_wait3A_24 : memref<256xi32, #tpu.memory_space<hbm>>) dst(%dma_wait3A_23 : memref<256xi32, #tpu.memory_space<vmem>>)
    %add3A_25 = arith.constant 0 : i32
    %add3A_26 = arith.addi %mul3A_2, %add3A_25 : i32
    %add3A_27 = arith.constant 0 : i32
    %add3A_28 = arith.addi %mul3A_2, %add3A_27 : i32
    %dma_start3A_29 = arith.constant 0 : i32
    %dma_start3A_30 = arith.constant 0 : i32
    %dma_start3A_31 = tpu.memref_slice %arg10[%dma_start3A_29, %dma_start3A_30] : memref<256x128xf32, #tpu.memory_space<vmem>> -> memref<128x128xf32, #tpu.memory_space<vmem>>
    %dma_start3A_32 = arith.constant 0 : i32
    %dma_start3A_33 = tpu.memref_slice %arg8[%dma_start3A_32] : memref<512xi32, #tpu.memory_space<vmem>> -> memref<128xi32, #tpu.memory_space<vmem>>
    %dma_start3A_34 = arith.constant 0 : i32
    %dma_start3A_35 = arith.constant 0 : i32
    %dma_start3A_36 = tpu.memref_slice %arg4[%dma_start3A_34, %dma_start3A_35] : memref<1000000x128xf32, #tpu.memory_space<hbm>> -> memref<1000000x128xf32, #tpu.memory_space<hbm>>
    tpu.enqueue_indirect_dma source(%dma_start3A_36 : memref<1000000x128xf32, #tpu.memory_space<hbm>>) target(%dma_start3A_31 : memref<128x128xf32, #tpu.memory_space<vmem>>) offsets(%dma_start3A_33 : memref<128xi32, #tpu.memory_space<vmem>>) semaphore(%arg12 : memref<!tpu.dma_semaphore, #tpu.memory_space<semaphore_mem>>)
    %dma_start3A_37 = arith.constant 128 : i32
    %dma_start3A_38 = arith.constant 0 : i32
    %dma_start3A_39 = tpu.memref_slice %arg10[%dma_start3A_37, %dma_start3A_38] : memref<256x128xf32, #tpu.memory_space<vmem>> -> memref<128x128xf32, #tpu.memory_space<vmem>>
    %dma_start3A_40 = arith.constant 128 : i32
    %dma_start3A_41 = tpu.memref_slice %arg8[%dma_start3A_40] : memref<512xi32, #tpu.memory_space<vmem>> -> memref<128xi32, #tpu.memory_space<vmem>>
    %dma_start3A_42 = arith.constant 0 : i32
    %dma_start3A_43 = arith.constant 0 : i32
    %dma_start3A_44 = tpu.memref_slice %arg4[%dma_start3A_42, %dma_start3A_43] : memref<1000000x128xf32, #tpu.memory_space<hbm>> -> memref<1000000x128xf32, #tpu.memory_space<hbm>>
    tpu.enqueue_indirect_dma source(%dma_start3A_44 : memref<1000000x128xf32, #tpu.memory_space<hbm>>) target(%dma_start3A_39 : memref<128x128xf32, #tpu.memory_space<vmem>>) offsets(%dma_start3A_41 : memref<128xi32, #tpu.memory_space<vmem>>) semaphore(%arg12 : memref<!tpu.dma_semaphore, #tpu.memory_space<semaphore_mem>>)
    %dma_start3A_45 = arith.constant 0 : i32
    %dma_start3A_46 = arith.constant 0 : i32
    %dma_start3A_47 = tpu.memref_slice %arg11[%dma_start3A_45, %dma_start3A_46] : memref<256x128xf32, #tpu.memory_space<vmem>> -> memref<128x128xf32, #tpu.memory_space<vmem>>
    %dma_start3A_48 = arith.constant 0 : i32
    %dma_start3A_49 = tpu.memref_slice %arg9[%dma_start3A_48] : memref<512xi32, #tpu.memory_space<vmem>> -> memref<128xi32, #tpu.memory_space<vmem>>
    %dma_start3A_50 = arith.constant 0 : i32
    %dma_start3A_51 = arith.constant 0 : i32
    %dma_start3A_52 = tpu.memref_slice %arg5[%dma_start3A_50, %dma_start3A_51] : memref<1000000x128xf32, #tpu.memory_space<hbm>> -> memref<1000000x128xf32, #tpu.memory_space<hbm>>
    tpu.enqueue_indirect_dma source(%dma_start3A_52 : memref<1000000x128xf32, #tpu.memory_space<hbm>>) target(%dma_start3A_47 : memref<128x128xf32, #tpu.memory_space<vmem>>) offsets(%dma_start3A_49 : memref<128xi32, #tpu.memory_space<vmem>>) semaphore(%arg13 : memref<!tpu.dma_semaphore, #tpu.memory_space<semaphore_mem>>)
    %dma_start3A_53 = arith.constant 128 : i32
    %dma_start3A_54 = arith.constant 0 : i32
    %dma_start3A_55 = tpu.memref_slice %arg11[%dma_start3A_53, %dma_start3A_54] : memref<256x128xf32, #tpu.memory_space<vmem>> -> memref<128x128xf32, #tpu.memory_space<vmem>>
    %dma_start3A_56 = arith.constant 128 : i32
    %dma_start3A_57 = tpu.memref_slice %arg9[%dma_start3A_56] : memref<512xi32, #tpu.memory_space<vmem>> -> memref<128xi32, #tpu.memory_space<vmem>>
    %dma_start3A_58 = arith.constant 0 : i32
    %dma_start3A_59 = arith.constant 0 : i32
    %dma_start3A_60 = tpu.memref_slice %arg5[%dma_start3A_58, %dma_start3A_59] : memref<1000000x128xf32, #tpu.memory_space<hbm>> -> memref<1000000x128xf32, #tpu.memory_space<hbm>>
    tpu.enqueue_indirect_dma source(%dma_start3A_60 : memref<1000000x128xf32, #tpu.memory_space<hbm>>) target(%dma_start3A_55 : memref<128x128xf32, #tpu.memory_space<vmem>>) offsets(%dma_start3A_57 : memref<128xi32, #tpu.memory_space<vmem>>) semaphore(%arg13 : memref<!tpu.dma_semaphore, #tpu.memory_space<semaphore_mem>>)
    %dma_wait3A_61 = arith.constant 0 : i32
    %dma_wait3A_62 = arith.constant 0 : i32
    %dma_wait3A_63 = tpu.memref_slice %arg10[%dma_wait3A_61, %dma_wait3A_62] : memref<256x128xf32, #tpu.memory_space<vmem>> -> memref<128x128xf32, #tpu.memory_space<vmem>>
    %dma_wait3A_64 = arith.constant 0 : i32
    %dma_wait3A_65 = tpu.memref_slice %arg8[%dma_wait3A_64] : memref<512xi32, #tpu.memory_space<vmem>> -> memref<128xi32, #tpu.memory_space<vmem>>
    %dma_wait3A_66 = arith.constant 0 : i32
    %dma_wait3A_67 = arith.constant 0 : i32
    %dma_wait3A_68 = tpu.memref_slice %arg4[%dma_wait3A_66, %dma_wait3A_67] : memref<1000000x128xf32, #tpu.memory_space<hbm>> -> memref<1000000x128xf32, #tpu.memory_space<hbm>>
    tpu.wait_indirect_dma semaphore(%arg12 : memref<!tpu.dma_semaphore, #tpu.memory_space<semaphore_mem>>) src(%dma_wait3A_68 : memref<1000000x128xf32, #tpu.memory_space<hbm>>) dst(%dma_wait3A_63 : memref<128x128xf32, #tpu.memory_space<vmem>>)
    %dma_wait3A_69 = arith.constant 128 : i32
    %dma_wait3A_70 = arith.constant 0 : i32
    %dma_wait3A_71 = tpu.memref_slice %arg10[%dma_wait3A_69, %dma_wait3A_70] : memref<256x128xf32, #tpu.memory_space<vmem>> -> memref<128x128xf32, #tpu.memory_space<vmem>>
    %dma_wait3A_72 = arith.constant 128 : i32
    %dma_wait3A_73 = tpu.memref_slice %arg8[%dma_wait3A_72] : memref<512xi32, #tpu.memory_space<vmem>> -> memref<128xi32, #tpu.memory_space<vmem>>
    %dma_wait3A_74 = arith.constant 0 : i32
    %dma_wait3A_75 = arith.constant 0 : i32
    %dma_wait3A_76 = tpu.memref_slice %arg4[%dma_wait3A_74, %dma_wait3A_75] : memref<1000000x128xf32, #tpu.memory_space<hbm>> -> memref<1000000x128xf32, #tpu.memory_space<hbm>>
    tpu.wait_indirect_dma semaphore(%arg12 : memref<!tpu.dma_semaphore, #tpu.memory_space<semaphore_mem>>) src(%dma_wait3A_76 : memref<1000000x128xf32, #tpu.memory_space<hbm>>) dst(%dma_wait3A_71 : memref<128x128xf32, #tpu.memory_space<vmem>>)
    %dma_start3A_77 = arith.constant 0 : i32
    %dma_start3A_78 = tpu.memref_slice %arg6[%add3A_26, %dma_start3A_77] : memref<8192x128xf32, #tpu.memory_space<hbm>> -> memref<256x128xf32, #tpu.memory_space<hbm>>
    %dma_start3A_79 = arith.constant 0 : i32
    %dma_start3A_80 = tpu.memref_slice %arg6[%add3A_26, %dma_start3A_79] : memref<8192x128xf32, #tpu.memory_space<hbm>> -> memref<256x128xf32, #tpu.memory_space<hbm>>
    tpu.enqueue_dma source(%arg10 : memref<256x128xf32, #tpu.memory_space<vmem>>) target(%dma_start3A_80 : memref<256x128xf32, #tpu.memory_space<hbm>>) target_semaphore(%arg14 : memref<!tpu.dma_semaphore, #tpu.memory_space<semaphore_mem>>)
    %dma_wait3A_81 = arith.constant 0 : i32
    %dma_wait3A_82 = arith.constant 0 : i32
    %dma_wait3A_83 = tpu.memref_slice %arg11[%dma_wait3A_81, %dma_wait3A_82] : memref<256x128xf32, #tpu.memory_space<vmem>> -> memref<128x128xf32, #tpu.memory_space<vmem>>
    %dma_wait3A_84 = arith.constant 0 : i32
    %dma_wait3A_85 = tpu.memref_slice %arg9[%dma_wait3A_84] : memref<512xi32, #tpu.memory_space<vmem>> -> memref<128xi32, #tpu.memory_space<vmem>>
    %dma_wait3A_86 = arith.constant 0 : i32
    %dma_wait3A_87 = arith.constant 0 : i32
    %dma_wait3A_88 = tpu.memref_slice %arg5[%dma_wait3A_86, %dma_wait3A_87] : memref<1000000x128xf32, #tpu.memory_space<hbm>> -> memref<1000000x128xf32, #tpu.memory_space<hbm>>
    tpu.wait_indirect_dma semaphore(%arg13 : memref<!tpu.dma_semaphore, #tpu.memory_space<semaphore_mem>>) src(%dma_wait3A_88 : memref<1000000x128xf32, #tpu.memory_space<hbm>>) dst(%dma_wait3A_83 : memref<128x128xf32, #tpu.memory_space<vmem>>)
    %dma_wait3A_89 = arith.constant 128 : i32
    %dma_wait3A_90 = arith.constant 0 : i32
    %dma_wait3A_91 = tpu.memref_slice %arg11[%dma_wait3A_89, %dma_wait3A_90] : memref<256x128xf32, #tpu.memory_space<vmem>> -> memref<128x128xf32, #tpu.memory_space<vmem>>
    %dma_wait3A_92 = arith.constant 128 : i32
    %dma_wait3A_93 = tpu.memref_slice %arg9[%dma_wait3A_92] : memref<512xi32, #tpu.memory_space<vmem>> -> memref<128xi32, #tpu.memory_space<vmem>>
    %dma_wait3A_94 = arith.constant 0 : i32
    %dma_wait3A_95 = arith.constant 0 : i32
    %dma_wait3A_96 = tpu.memref_slice %arg5[%dma_wait3A_94, %dma_wait3A_95] : memref<1000000x128xf32, #tpu.memory_space<hbm>> -> memref<1000000x128xf32, #tpu.memory_space<hbm>>
    tpu.wait_indirect_dma semaphore(%arg13 : memref<!tpu.dma_semaphore, #tpu.memory_space<semaphore_mem>>) src(%dma_wait3A_96 : memref<1000000x128xf32, #tpu.memory_space<hbm>>) dst(%dma_wait3A_91 : memref<128x128xf32, #tpu.memory_space<vmem>>)
    %dma_start3A_97 = arith.constant 0 : i32
    %dma_start3A_98 = tpu.memref_slice %arg7[%add3A_28, %dma_start3A_97] : memref<8192x128xf32, #tpu.memory_space<hbm>> -> memref<256x128xf32, #tpu.memory_space<hbm>>
    %dma_start3A_99 = arith.constant 0 : i32
    %dma_start3A_100 = tpu.memref_slice %arg7[%add3A_28, %dma_start3A_99] : memref<8192x128xf32, #tpu.memory_space<hbm>> -> memref<256x128xf32, #tpu.memory_space<hbm>>
    tpu.enqueue_dma source(%arg11 : memref<256x128xf32, #tpu.memory_space<vmem>>) target(%dma_start3A_100 : memref<256x128xf32, #tpu.memory_space<hbm>>) target_semaphore(%arg15 : memref<!tpu.dma_semaphore, #tpu.memory_space<semaphore_mem>>)
    %dma_wait3A_101 = arith.constant 0 : i32
    %dma_wait3A_102 = tpu.memref_slice %arg6[%add3A_26, %dma_wait3A_101] : memref<8192x128xf32, #tpu.memory_space<hbm>> -> memref<256x128xf32, #tpu.memory_space<hbm>>
    %dma_wait3A_103 = arith.constant 0 : i32
    %dma_wait3A_104 = tpu.memref_slice %arg6[%add3A_26, %dma_wait3A_103] : memref<8192x128xf32, #tpu.memory_space<hbm>> -> memref<256x128xf32, #tpu.memory_space<hbm>>
    tpu.wait_dma2 semaphore(%arg14 : memref<!tpu.dma_semaphore, #tpu.memory_space<semaphore_mem>>) src(%arg10 : memref<256x128xf32, #tpu.memory_space<vmem>>) dst(%dma_wait3A_104 : memref<256x128xf32, #tpu.memory_space<hbm>>)
    %dma_wait3A_105 = arith.constant 0 : i32
    %dma_wait3A_106 = tpu.memref_slice %arg7[%add3A_28, %dma_wait3A_105] : memref<8192x128xf32, #tpu.memory_space<hbm>> -> memref<256x128xf32, #tpu.memory_space<hbm>>
    %dma_wait3A_107 = arith.constant 0 : i32
    %dma_wait3A_108 = tpu.memref_slice %arg7[%add3A_28, %dma_wait3A_107] : memref<8192x128xf32, #tpu.memory_space<hbm>> -> memref<256x128xf32, #tpu.memory_space<hbm>>
    tpu.wait_dma2 semaphore(%arg15 : memref<!tpu.dma_semaphore, #tpu.memory_space<semaphore_mem>>) src(%arg11 : memref<256x128xf32, #tpu.memory_space<vmem>>) dst(%dma_wait3A_108 : memref<256x128xf32, #tpu.memory_space<hbm>>)
    return
  }
}

module attributes {stable_mosaic.version = 14 : i64} {
  func.func @_mlp_body(%arg0: i32, %arg1: memref<4096x128xf32, #tpu.memory_space<vmem>>, %arg2: memref<4096x128xf32, #tpu.memory_space<vmem>>, %arg3: memref<128x64xf32, #tpu.memory_space<vmem>>, %arg4: memref<128x64xf32, #tpu.memory_space<vmem>>, %arg5: memref<1x64xf32, #tpu.memory_space<vmem>>, %arg6: memref<64x16xf32, #tpu.memory_space<vmem>>, %arg7: memref<1x16xf32, #tpu.memory_space<vmem>>, %arg8: memref<1x16xf32, #tpu.memory_space<vmem>>, %arg9: memref<1x1xf32, #tpu.memory_space<vmem>>, %arg10: memref<1x1x4096xf32, #tpu.memory_space<vmem>>) attributes {dimension_semantics = [#tpu.dimension_semantics<parallel>], iteration_bounds = array<i64: 2>, scalar_prefetch = 0 : i64, scratch_operands = 0 : i64, tpu.core_type = #tpu.core_type<tc>, window_params = [{transform_indices = @transform_0, window_bounds = array<i64: 4096, 128>}, {transform_indices = @transform_1, window_bounds = array<i64: 4096, 128>}, {pipeline_mode = #tpu.pipeline_mode<synchronous>, transform_indices = @transform_2, window_bounds = array<i64: 128, 64>}, {pipeline_mode = #tpu.pipeline_mode<synchronous>, transform_indices = @transform_3, window_bounds = array<i64: 128, 64>}, {pipeline_mode = #tpu.pipeline_mode<synchronous>, transform_indices = @transform_4, window_bounds = array<i64: 1, 64>}, {pipeline_mode = #tpu.pipeline_mode<synchronous>, transform_indices = @transform_5, window_bounds = array<i64: 64, 16>}, {pipeline_mode = #tpu.pipeline_mode<synchronous>, transform_indices = @transform_6, window_bounds = array<i64: 1, 16>}, {pipeline_mode = #tpu.pipeline_mode<synchronous>, transform_indices = @transform_7, window_bounds = array<i64: 1, 16>}, {pipeline_mode = #tpu.pipeline_mode<synchronous>, transform_indices = @transform_8, window_bounds = array<i64: 1, 1>}, {transform_indices = @transform_9, window_bounds = array<i64: 1, 1, 4096>}]} {
    %get3A = arith.constant 0 : index
    %get3A_0 = arith.constant 0 : index
    %get3A_1 = vector.load %arg1[%get3A, %get3A_0] : memref<4096x128xf32, #tpu.memory_space<vmem>>, vector<4096x128xf32>
    %get3A_2 = arith.constant 0 : index
    %get3A_3 = arith.constant 0 : index
    %get3A_4 = vector.load %arg3[%get3A_2, %get3A_3] : memref<128x64xf32, #tpu.memory_space<vmem>>, vector<128x64xf32>
    %dot_general3A = arith.constant dense<0.000000e+00> : vector<4096x64xf32>
    %dot_general3A_5 = tpu.matmul %get3A_1, %get3A_4, %dot_general3A {dimension_numbers = #tpu.dot_dimension_numbers<[1], [0], [0], [1], [0, 0, 1, 1], [], []>, transpose_lhs_hint = false} : vector<4096x128xf32>, vector<128x64xf32>, vector<4096x64xf32> -> vector<4096x64xf32>
    %get3A_6 = arith.constant 0 : index
    %get3A_7 = arith.constant 0 : index
    %get3A_8 = vector.load %arg2[%get3A_6, %get3A_7] : memref<4096x128xf32, #tpu.memory_space<vmem>>, vector<4096x128xf32>
    %get3A_9 = arith.constant 0 : index
    %get3A_10 = arith.constant 0 : index
    %get3A_11 = vector.load %arg4[%get3A_9, %get3A_10] : memref<128x64xf32, #tpu.memory_space<vmem>>, vector<128x64xf32>
    %dot_general3A_12 = arith.constant dense<0.000000e+00> : vector<4096x64xf32>
    %dot_general3A_13 = tpu.matmul %get3A_8, %get3A_11, %dot_general3A_12 {dimension_numbers = #tpu.dot_dimension_numbers<[1], [0], [0], [1], [0, 0, 1, 1], [], []>, transpose_lhs_hint = false} : vector<4096x128xf32>, vector<128x64xf32>, vector<4096x64xf32> -> vector<4096x64xf32>
    %add3A = arith.addf %dot_general3A_5, %dot_general3A_13 : vector<4096x64xf32>
    %get3A_14 = arith.constant 0 : index
    %get3A_15 = arith.constant 0 : index
    %get3A_16 = vector.load %arg5[%get3A_14, %get3A_15] : memref<1x64xf32, #tpu.memory_space<vmem>>, vector<1x64xf32>
    %add3A_17 = vector.broadcast %get3A_16 : vector<1x64xf32> to vector<4096x64xf32>
    %add3A_18 = arith.addf %add3A, %add3A_17 : vector<4096x64xf32>
    %max3A = arith.constant 0.000000e+00 : f32
    %max3A_19 = vector.broadcast %max3A : f32 to vector<4096x64xf32>
    %max3A_20 = arith.maximumf %add3A_18, %max3A_19 : vector<4096x64xf32>
    %get3A_21 = arith.constant 0 : index
    %get3A_22 = arith.constant 0 : index
    %get3A_23 = vector.load %arg6[%get3A_21, %get3A_22] : memref<64x16xf32, #tpu.memory_space<vmem>>, vector<64x16xf32>
    %dot_general3A_24 = arith.constant dense<0.000000e+00> : vector<4096x16xf32>
    %dot_general3A_25 = tpu.matmul %max3A_20, %get3A_23, %dot_general3A_24 {dimension_numbers = #tpu.dot_dimension_numbers<[1], [0], [0], [1], [0, 0, 1, 1], [], []>, transpose_lhs_hint = false} : vector<4096x64xf32>, vector<64x16xf32>, vector<4096x16xf32> -> vector<4096x16xf32>
    %get3A_26 = arith.constant 0 : index
    %get3A_27 = arith.constant 0 : index
    %get3A_28 = vector.load %arg7[%get3A_26, %get3A_27] : memref<1x16xf32, #tpu.memory_space<vmem>>, vector<1x16xf32>
    %add3A_29 = vector.broadcast %get3A_28 : vector<1x16xf32> to vector<4096x16xf32>
    %add3A_30 = arith.addf %dot_general3A_25, %add3A_29 : vector<4096x16xf32>
    %max3A_31 = arith.constant 0.000000e+00 : f32
    %max3A_32 = vector.broadcast %max3A_31 : f32 to vector<4096x16xf32>
    %max3A_33 = arith.maximumf %add3A_30, %max3A_32 : vector<4096x16xf32>
    %get3A_34 = arith.constant 0 : index
    %get3A_35 = arith.constant 0 : index
    %get3A_36 = vector.load %arg8[%get3A_34, %get3A_35] : memref<1x16xf32, #tpu.memory_space<vmem>>, vector<1x16xf32>
    %transpose3A = tpu.transpose %max3A_33, [1, 0] : vector<4096x16xf32> -> vector<16x4096xf32>
    %dot_general3A_37 = arith.constant dense<0.000000e+00> : vector<1x4096xf32>
    %dot_general3A_38 = tpu.matmul %get3A_36, %transpose3A, %dot_general3A_37 {dimension_numbers = #tpu.dot_dimension_numbers<[1], [0], [0], [1], [0, 0, 1, 1], [], []>, transpose_lhs_hint = false} : vector<1x16xf32>, vector<16x4096xf32>, vector<1x4096xf32> -> vector<1x4096xf32>
    %get3A_39 = arith.constant 0 : index
    %get3A_40 = arith.constant 0 : index
    %get3A_41 = vector.load %arg9[%get3A_39, %get3A_40] : memref<1x1xf32, #tpu.memory_space<vmem>>, vector<1x1xf32>
    %get3A_42 = vector.extract %get3A_41[0, 0] : f32 from vector<1x1xf32>
    %add3A_43 = vector.broadcast %get3A_42 : f32 to vector<1x4096xf32>
    %add3A_44 = arith.addf %dot_general3A_38, %add3A_43 : vector<1x4096xf32>
    %broadcast_in_dim3A = vector.shape_cast %add3A_44 : vector<1x4096xf32> to vector<1x1x4096xf32>
    %swap3A = arith.constant 0 : index
    %swap3A_45 = arith.constant 0 : index
    %swap3A_46 = arith.constant 0 : index
    %swap3A_47 = vector.load %arg10[%swap3A, %swap3A_45, %swap3A_46] : memref<1x1x4096xf32, #tpu.memory_space<vmem>>, vector<1x1x4096xf32>
    tpu.vector_store %arg10[%swap3A, %swap3A_45, %swap3A_46], %broadcast_in_dim3A {strides = array<i32>} : memref<1x1x4096xf32, #tpu.memory_space<vmem>>, vector<1x1x4096xf32>,
    return
  }
  func.func @transform_0(%arg0: i32) -> (i32, i32) {
    %c0_i32 = arith.constant 0 : i32
    %c0_i32_0 = arith.constant 0 : i32
    return %arg0, %c0_i32 : i32, i32
  }
  func.func @transform_1(%arg0: i32) -> (i32, i32) {
    %c0_i32 = arith.constant 0 : i32
    %c0_i32_0 = arith.constant 0 : i32
    return %arg0, %c0_i32 : i32, i32
  }
  func.func @transform_2(%arg0: i32) -> (i32, i32) {
    %c0_i32 = arith.constant 0 : i32
    %c0_i32_0 = arith.constant 0 : i32
    %c0_i32_1 = arith.constant 0 : i32
    return %c0_i32, %c0_i32_0 : i32, i32
  }
  func.func @transform_3(%arg0: i32) -> (i32, i32) {
    %c0_i32 = arith.constant 0 : i32
    %c0_i32_0 = arith.constant 0 : i32
    %c0_i32_1 = arith.constant 0 : i32
    return %c0_i32, %c0_i32_0 : i32, i32
  }
  func.func @transform_4(%arg0: i32) -> (i32, i32) {
    %c0_i32 = arith.constant 0 : i32
    %c0_i32_0 = arith.constant 0 : i32
    %c0_i32_1 = arith.constant 0 : i32
    return %c0_i32, %c0_i32_0 : i32, i32
  }
  func.func @transform_5(%arg0: i32) -> (i32, i32) {
    %c0_i32 = arith.constant 0 : i32
    %c0_i32_0 = arith.constant 0 : i32
    %c0_i32_1 = arith.constant 0 : i32
    return %c0_i32, %c0_i32_0 : i32, i32
  }
  func.func @transform_6(%arg0: i32) -> (i32, i32) {
    %c0_i32 = arith.constant 0 : i32
    %c0_i32_0 = arith.constant 0 : i32
    %c0_i32_1 = arith.constant 0 : i32
    return %c0_i32, %c0_i32_0 : i32, i32
  }
  func.func @transform_7(%arg0: i32) -> (i32, i32) {
    %c0_i32 = arith.constant 0 : i32
    %c0_i32_0 = arith.constant 0 : i32
    %c0_i32_1 = arith.constant 0 : i32
    return %c0_i32, %c0_i32_0 : i32, i32
  }
  func.func @transform_8(%arg0: i32) -> (i32, i32) {
    %c0_i32 = arith.constant 0 : i32
    %c0_i32_0 = arith.constant 0 : i32
    %c0_i32_1 = arith.constant 0 : i32
    return %c0_i32, %c0_i32_0 : i32, i32
  }
  func.func @transform_9(%arg0: i32) -> (i32, i32, i32) {
    %c0_i32 = arith.constant 0 : i32
    %c0_i32_0 = arith.constant 0 : i32
    %c0_i32_1 = arith.constant 0 : i32
    return %arg0, %c0_i32, %c0_i32_0 : i32, i32, i32
  }
}

</mosaic_0001>

<sc_bundles>
// kernel: kernel.6.cloned.1.call-start
scs
__scs_entry_jumppad:
0x0: {  	(pc) =	sbr.rel $0x88, $3  }
0x1: {  	(tag) =	ssettag $0x0;
	lr =	simm.s32 $0x1  }
0x2: {  	[smem:$0x3F97] =	sst lr;
	_ =	strace $0xD0000000  }
0x3: {  	_ = 	snop  }
0x4: {  	_ = 	snop  }
0x5: {  	_ = 	snop  }
0x6: {  	_ = 	snop  }
0x7: {  	_ = 	snop  }
__scs_overlays_trampoline_lowered:
0x8: {  	[smem:$0x3FA6] =	sst s0  }
0x9: {  	[smem:$0x3FA7] =	sst s1  }
0xa: {  	[smem:$0x3FA8] =	sst s2  }
0xb: {  	[smem:$0x3FA9] =	sst s3  }
0xc: {  	[smem:$0x3FAA] =	sst s4  }
0xd: {  	[smem:$0x3FAB] =	sst s5  }
0xe: {  	[smem:$0x3FAC] =	sst s6  }
0xf: {  	[smem:$0x3FAD] =	sst s7  }
0x10: {  	[smem:$0x3FAE] =	sst s8  }
0x11: {  	[smem:$0x3FAF] =	sst s9;
	s0 =	simm.s32 @!p0 $0x0  }
0x12: {  	s1 =	sld [smem:$0x3F95];
	s0 =	simm.s32 @p0 $0x1  }
0x13: {  	[smem:$0x3FB0] =	sst s0;
	s0 =	simm.s32 @!p1 $0x0  }
0x14: {  	s2 =	sld [smem:$0x3F94];
	s0 =	simm.s32 @p1 $0x1  }
0x15: {  	[smem:$0x3FB1] =	sst s0;
	s0 =	simm.s32 @!p2 $0x0  }
0x16: {  	s3 =	sld [smem:$0x3FDB];
	s0 =	simm.s32 @p2 $0x1  }
0x17: {  	s4 =	simm.s32 $0x1BF5;
	[smem:$0x3FB3] =	sst s0  }
0x18: {  	s0 =	sld [smem:$0x3F96];
	_ =	swait.ge [sflag:s4], $0x0  }
0x19: {  	s7 =	sld [smem:$0x3F97]  }
0x1a: {  	s8 =	sadd.s32 $0xFFFFE003, lr  }
0x1b: {  	s9 =	sadd.s32 $0xFFFFFEF7, lr;
	s5 =	simm.s32 $0xFFFFFFFF;
	p2 =	slt.u32 s8, $0xFFFFF086  }
0x1c: {  	p1 =	slt.u32 s9, $0xF7A;
	s5 =	simm.s32 @!p2 $0x0  }
0x1d: {  	s5 =	simm.s32 @p1 $0x1;
	p0 =	seq.s32 s7, s2  }
0x1e: {  	s7 =	smul.u32 @!p0 $0xF7A, s2;
	p2 =	seq.s32 @!p0 s5, $0x0  }
0x1f: {  	s9 =	smul.u32 $0xF7A, s1;
	s8 =	simm.s32 @!p0 $0x1BF5;
	p2 =	por !p2, p0  }
0x20: {  	[sflag:s8] =	ssyncset.s32 @!p0 $0xFFFFF086;
	s6 =	sadd.s32 @!p0 s3, s7;
	s7 =	simm.s32 @!p0 $0x108  }
0x21: {  	s3 =	sadd.s32 s3, s9;
	s6 =	sadd.s32 @!p0 $0x88, s6;
	s7 =	simm.s32 @p2 $0x1082  }
0x22: {  	[simem:s7], [sflag:s8] =	dma.local @!p0 [hbm:s6], $0xF7A  }
0x23: {  	s9 =	sor.u32 $0xD0000000, s2;
	s6 =	simm.s32 $0x108;
	_ =	swait.ge @!p0 [sflag:s8], $0x0  }
0x24: {  	s3 =	sadd.s32 $0x88, s3;
	s6 =	simm.s32 @!p1 $0x1082;
	[sflag:s4] =	ssyncset.s32 $0xFFFFF086  }
0x25: {  	[simem:s6], [sflag:s4] =	dma.local [hbm:s3], $0xF7A  }
0x26: {  	[smem:$0x3F97] =	sst s1;
	(tag) =	ssettag s2;
	_ =	strace s9  }
0x27: {  	s1 =	sld [smem:$0x3FA7]  }
0x28: {  	s2 =	sld [smem:$0x3FA8]  }
0x29: {  	s4 =	sld [smem:$0x3FAA]  }
0x2a: {  	p0 =	seq.s32 s5, $0x0;
	s5 =	sld [smem:$0x3FAB]  }
0x2b: {  	s6 =	sld [smem:$0x3FAC]  }
0x2c: {  	s7 =	sld [smem:$0x3FAD]  }
0x2d: {  	s3 =	simm.s32 $0x108;
	s8 =	sld [smem:$0x3FAE]  }
0x2e: {  	s3 =	simm.s32 @!p0 $0x1082;
	s9 =	sld [smem:$0x3FAF]  }
0x2f: {  	lr =	sadd.s32 s0, s3;
	s0 =	sld [smem:$0x3FA6]  }
0x30: {  	s3 =	sld [smem:$0x3FA9]  }
0x31: {  	[smem:$0x3FB2] =	sst s10  }
0x32: {  	s10 =	sld [smem:$0x3FB0];
	_ =	sdelay $0x3  }
0x33: {  	p0 =	seq.s32 s10, $0x1;
	s10 =	sld [smem:$0x3FB2];
	_ =	sdelay $0x3  }
0x34: {  	[smem:$0x3FB2] =	sst s10  }
0x35: {  	s10 =	sld [smem:$0x3FB1];
	_ =	sdelay $0x3  }
0x36: {  	p1 =	seq.s32 s10, $0x1;
	s10 =	sld [smem:$0x3FB2];
	_ =	sdelay $0x3  }
0x37: {  	[smem:$0x3FB2] =	sst s10  }
0x38: {  	s10 =	sld [smem:$0x3FB3]  }
0x39: {  	_ = 	snop;
	(pc) =	sbr.ind lr, $3  }
0x3a: {  	_ = 	snop  }
0x3b: {  	_ = 	snop  }
0x3c: {  	p2 =	seq.s32 s10, $0x1;
	s10 =	sld [smem:$0x3FB2]  }
0x3d: {  	_ =	shalt  }
0x3e: {  	_ =	shalt  }
0x3f: {  	_ =	shalt  }
0x40: {  	_ =	shalt  }
0x41: {  	_ =	shalt  }
0x42: {  	_ =	shalt  }
0x43: {  	_ =	shalt  }
0x44: {  	_ =	shalt  }
0x45: {  	_ =	shalt  }
0x46: {  	_ =	shalt  }
0x47: {  	_ =	shalt  }
0x48: {  	_ =	shalt  }
0x49: {  	_ =	shalt  }
0x4a: {  	_ =	shalt  }
0x4b: {  	_ =	shalt  }
0x4c: {  	_ =	shalt  }
0x4d: {  	_ =	shalt  }
0x4e: {  	_ =	shalt  }
0x4f: {  	_ =	shalt  }
0x50: {  	_ =	shalt  }
0x51: {  	_ =	shalt  }
0x52: {  	_ =	shalt  }
0x53: {  	_ =	shalt  }
0x54: {  	_ =	shalt  }
0x55: {  	_ =	shalt  }
0x56: {  	_ =	shalt  }
0x57: {  	_ =	shalt  }
0x58: {  	_ =	shalt  }
0x59: {  	_ =	shalt  }
0x5a: {  	_ =	shalt  }
0x5b: {  	_ =	shalt  }
0x5c: {  	_ =	shalt  }
0x5d: {  	_ =	shalt  }
0x5e: {  	_ =	shalt  }
0x5f: {  	_ =	shalt  }
0x60: {  	_ =	shalt  }
0x61: {  	_ =	shalt  }
0x62: {  	_ =	shalt  }
0x63: {  	_ =	shalt  }
0x64: {  	_ =	shalt  }
0x65: {  	_ =	shalt  }
0x66: {  	_ =	shalt  }
0x67: {  	_ =	shalt  }
0x68: {  	_ =	shalt  }
0x69: {  	_ =	shalt  }
0x6a: {  	_ =	shalt  }
0x6b: {  	_ =	shalt  }
0x6c: {  	_ =	shalt  }
0x6d: {  	_ =	shalt  }
0x6e: {  	_ =	shalt  }
0x6f: {  	_ =	shalt  }
0x70: {  	_ =	shalt  }
0x71: {  	_ =	shalt  }
0x72: {  	_ =	shalt  }
0x73: {  	_ =	shalt  }
0x74: {  	_ =	shalt  }
0x75: {  	_ =	shalt  }
0x76: {  	_ =	shalt  }
0x77: {  	_ =	shalt  }
0x78: {  	_ =	shalt  }
0x79: {  	_ =	shalt  }
0x7a: {  	_ =	shalt  }
0x7b: {  	_ =	shalt  }
0x7c: {  	_ =	shalt  }
0x7d: {  	_ =	shalt  }
0x7e: {  	_ =	shalt  }
0x7f: {  	_ =	shalt  }
0x80: {  	_ =	shalt  }
0x81: {  	_ =	shalt  }
0x82: {  	_ =	shalt  }
0x83: {  	_ =	shalt  }
0x84: {  	_ =	shalt  }
0x85: {  	_ =	shalt  }
0x86: {  	_ =	shalt  }
0x87: {  	_ =	shalt  }
.Lfunc_end0:
.L_simem_size_0:
called_computation_lowered:
.L_overlay_start_0:
0x88: {  	s2 =	sld [smem:$0x3FD9]  }
0x89: {  	s3 =	sld [smem:$0x3FFE];
	_ =	sdelay $0x1  }
0x8a: {  	s1 =	srdreg.scid  }
0x8b: {  	s0 =	sand.u32 $0x1, s1  }
0x8c: {  	s17 =	sshll.u32 s0, $0xA;
	s2 =	sadd.s32 s3, s2  }
0x8d: {  	s2 =	sadd.s32 s2, s17  }
0x8e: {  	[smem:$0x3FBE] =	sst s2  }
0x8f: {  	_ = 	snop  }
0x90: {  	s2 =	sld [smem:$0x3FC7]  }
0x91: {  	s18 =	sld [smem:$0x3FC6]  }
0x92: {  	s4 =	sld [smem:$0x3FD0];
	(tm) =	ssettm $0x1  }
0x93: {  	s5 =	sld [smem:$0x3FFB];
	_ =	sdelay $0x3  }
0x94: {  	_ =	strace s5  }
0x95: {  	s5 =	sld [smem:$0x3FFC];
	_ =	sdelay $0x3  }
0x96: {  	_ =	strace s5  }
0x97: {  	s5 =	sld [smem:$0x3FFD];
	_ =	sdelay $0x3  }
0x98: {  	_ =	strace s5  }
0x99: {  	_ =	strace $0x8FFFFFFF  }
0x9a: {  	s19 =	sld [smem:$0x3FDB];
	_ =	sdelay $0x1  }
0x9b: {  	s6 =	simm.s32 $_scs_section_size  }
0x9c: {  	s7 =	simm.s32 $_size__tile_overlayer_lowered;
	s8 =	simm.s32 $_tile_overlayer_lowered  }
0x9d: {  	s22 =	simm.s32 $0x1BFF;
	s21 =	sshll.u32 s8, $0x1;
	s5 =	sadd.s32 s6, s19  }
0x9e: {  	s9 =	simm.s32 $0x0;
	s20 =	sshll.u32 s7, $0x1;
	s7 =	sadd.s32 s21, s5  }
0x9f: {  	[timem:s9], [sflag:s22] =	dma.local [hbm:s7], s20  }
0xa0: {  	_ =	swait.ge [sflag:s22], s20  }
0xa1: {  	s6 =	ssub.s32 $0x0, s20;
	[sflag:s22] =	ssyncset.done $0x0  }
0xa2: {  	[sflag:s22] =	ssyncadd.s32 s6;
	_ =	sdelay $0x1  }
0xa3: {  	s23 =	simm.s32 $0x1B8B  }
0xa4: {  	_ =	swait.ge [sflag:s23], $0x1  }
0xa5: {  	[sflag:s23] =	ssyncset.done $0x0  }
0xa6: {  	s25 =	simm.s32 $0x1B8E;
	s24 =	sld [smem:$0x3FFE];
	[sflag:s23] =	ssyncadd.s32 $0xFFFFFFFF  }
0xa7: {  	s26 =	simm.s32 $execute0_lowered;
	[smem:$0x3FD2] =	sst s25  }
0xa8: {  	s7 =	sshll.u32 s26, $0x1;
	_ =	strace $0x80000046;
	[dreg:$0x1] =	wrdreg $0xFFFFFFFF  }
0xa9: {  	s28 =	simm.s32 $_size_execute0_lowered;
	s5 =	sadd.s32 s5, s7;
	[dreg:$0x0] =	wrdreg $0x0  }
0xaa: {  	s7 =	sshll.u32 s28, $0x1;
	[dreg:$0x2] =	wrdreg s5  }
0xab: {  	[dreg:$0x3] =	wrdreg s7  }
0xac: {  	[dreg:$0x4] =	wrdreg $0xC0  }
0xad: {  	_ =	task [dreg:s9], $0x5FFFF  }
0xae: {  	[dreg:$0x1] =	wrdreg $0xFFFFFFFF  }
0xaf: {  	[dreg:$0x0] =	wrdreg $0x60  }
0xb0: {  	[dreg:$0x2] =	wrdreg s24  }
0xb1: {  	[dreg:$0x3] =	wrdreg s4  }
0xb2: {  	[dreg:$0x4] =	wrdreg s2  }
0xb3: {  	[dreg:$0x5] =	wrdreg s18  }
0xb4: {  	[dreg:$0x6] =	wrdreg $0x9  }
0xb5: {  	_ =	task.clear_ibuf [dreg:s9], $0x7FFFF;
	_ =	strace $0x90000046  }
0xb6: {  	s29 =	simm.s32 $0x9;
	_ =	strace $0x80000048  }
0xb7: {  	_ =	swait.ge [sflag:s29], $0x1  }
0xb8: {  	[sflag:s29] =	ssyncadd.s32 $0xFFFFFFFF  }
0xb9: {  	_ =	strace $0x90000048  }
0xba: {  	_ =	sfence  }
0xbb: {  	s30 =	sld [smem:$0x0];
	_ =	sdelay $0x2  }
0xbc: {  	s31 =	sshll.u32 s1, $0xD;
	s1 =	sshrl.u32 s1, $0x2  }
0xbd: {  	s3 =	sand.u32 $0x4000, s31;
	s1 =	sadd.s32 s1, s30  }
0xbe: {  	s0 =	sor.u32 s3, s0;
	s1 =	sshll.u32 s1, $0x11  }
0xbf: {  	s0 =	sor.u32 s1, s0  }
0xc0: {  	s0 =	sadd.s32 $0x8F2B, s0  }
0xc1: {  	[sflag:s0] =	ssyncadd.remote.s32 $0x1  }
0xc2: {  	_ =	sfence.sel $0xFFFF  }
0xc3: {  	[dreg:$0x0] =	wrdreg $0xFFFFFFFF;
	(pc) =	sbr.abs _section_cstart, $3  }
0xc4: {  	[dreg:$0x1] =	wrdreg $0xFFFFFFFF  }
0xc5: {  	_ =	task.clear_ibuf [dreg:s9], $0x2FFFF;
	_ =	strace $0x9FFFFFFF  }
0xc6: {  	(tm) =	ssettm $0x7FFFFFFF  }
0xc7: {  	_ =	shalt  }
tec
execute0_lowered:
.L_overlay_start_1:
0x0: {  	(tag) =	ssettag $0x1  }
0x1: {  	s1 =	srdreg.scid  }
0x2: {  	s16 =	rddreg [dreg:$0x0];
	s0 =	stileid.u32;
	s17 =	sand.u32 $0x1, s1  }
0x3: {  	s6 =	rddreg [dreg:$0x1];
	s31 =	sshll.u32 s0, $0x9;
	s4 =	sshll.u32 s17, $0x8  }
0x4: {  	s2 =	rddreg [dreg:$0x2];
	s18 =	sor.u32 s4, s31  }
0x5: {  	s3 =	rddreg [dreg:$0x3];
	s4 =	simm.s32 $0x0;
	s7 =	sshrl.u32 s18, $0x3  }
0x6: {  	[smem:$0x7FF] =	sst s4;
	s5 =	sadd.s32 s7, s16  }
0x7: {  	s1 =	rddreg [dreg:$0x4];
	_ =	strace $0x80000047;
	s5 =	sadd.s32 $0x2600, s5  }
0x8: {  	[tilespmem:s4], [sflag:$0x1] =	stream.linear.gather [hbm4b:s5+s4], $0x100, $0x38;
	[tilespmem:$0x10400] =	vst v63  }
0x9: {  	s8 =	simm.s32 $0x1;
	s6 =	sadd.s32 s6, s7;
	s7 =	simm.s32 $0x200  }
0xa: {  	[tilespmem:s7], [sflag:$0x2] =	stream.linear.gather [hbm4b:s6+s4], $0x100, $0x38;
	[tilespmem:$0x10400] =	vst v63  }
0xb: {  	_ =	swait.ge [sflag:s8], $0x100  }
0xc: {  	[sflag:s8] =	ssyncset.done $0x0  }
0xd: {  	s9 =	simm.s32 $0x2;
	[sflag:s8] =	ssyncadd.s32 $0xFFFFFF00  }
0xe: {  	_ =	swait.ge [sflag:s9], $0x100  }
0xf: {  	[sflag:s9] =	ssyncset.done $0x0  }
0x10: {  	s10 =	simm.s32 $0x80;
	s11 =	simm.s32 $0x400;
	[sflag:s9] =	ssyncadd.s32 $0xFFFFFF00  }
0x11: {  	[tilespmem:s11], [sflag:$0x1] =	stream.indirect.gather [hbm4b:s2+s10], $0x80, s4, s10, $0xb8;
	[tilespmem:$0x10400] =	vst v63  }
0x12: {  	s12 =	simm.s32 $0x4400  }
0x13: {  	[tilespmem:s12], [sflag:$0x1] =	stream.indirect.gather [hbm4b:s2+s10], $0x80, s10, s10, $0xb8;
	[tilespmem:$0x10400] =	vst v63  }
0x14: {  	s13 =	simm.s32 $0x8400  }
0x15: {  	[tilespmem:s13], [sflag:$0x2] =	stream.indirect.gather [hbm4b:s3+s10], $0x80, s7, s10, $0xb8;
	[tilespmem:$0x10400] =	vst v63  }
0x16: {  	s14 =	simm.s32 $0x280;
	s15 =	simm.s32 $0xC400  }
0x17: {  	[tilespmem:s15], [sflag:$0x2] =	stream.indirect.gather [hbm4b:s3+s10], $0x80, s14, s10, $0xb8;
	[tilespmem:$0x10400] =	vst v63  }
0x18: {  	_ =	swait.ge [sflag:s8], $0x4000  }
0x19: {  	[sflag:s8] =	ssyncset.done $0x0  }
0x1a: {  	[sflag:s8] =	ssyncadd.s32 $0xFFFFC000  }
0x1b: {  	s18 =	sshll.u32 s18, $0x4;
	_ =	swait.ge [sflag:s8], $0x4000  }
0x1c: {  	s18 =	sadd.s32 s18, s16;
	[sflag:s8] =	ssyncset.done $0x0  }
0x1d: {  	s16 =	sadd.s32 $0x3200, s18;
	[sflag:s8] =	ssyncadd.s32 $0xFFFFC000  }
0x1e: {  	[hbm4b:s16+s4] =	stream.linear.scatter [tilespmem:s11], [sflag:$0x3], $0x8000, $0x38;
	[tilespmem:$0x10400] =	vst v63  }
0x1f: {  	_ =	swait.ge [sflag:s9], $0x4000  }
0x20: {  	s19 =	ssub.s32 $0x2, s17;
	[sflag:s9] =	ssyncset.done $0x0  }
0x21: {  	s20 =	sshrl.u32 s19, $0x1;
	[sflag:s9] =	ssyncadd.s32 $0xFFFFC000  }
0x22: {  	s19 =	ssub.s32 s19, s20;
	_ =	swait.ge [sflag:s9], $0x4000  }
0x23: {  	s20 =	smax.u32 s19, $0x1;
	s17 =	sadd.s32 $0x23200, s18;
	[sflag:s9] =	ssyncset.done $0x0  }
0x24: {  	s18 =	simm.s32 $0x3;
	p0 =	sne.s32 s20, $0x1;
	[sflag:s9] =	ssyncadd.s32 $0xFFFFC000  }
0x25: {  	[hbm4b:s17+s4] =	stream.linear.scatter [tilespmem:s13], [sflag:$0x4], $0x8000, $0x38;
	[tilespmem:$0x10400] =	vst v63  }
.Ltmp0:
0x26: {  	_ =	swait.ge [sflag:s18], $0x8000;
	(pc) =	sbr.rel @!p0 .LBB2_2-.Ltmp0, $4  }
0x27: {  	[sflag:s18] =	ssyncset.done $0x0  }
0x28: {  	s19 =	simm.s32 $0x4;
	[sflag:s18] =	ssyncadd.s32 $0xFFFF8000  }
0x29: {  	_ =	swait.ge [sflag:s19], $0x8000  }
0x2a: {  	s20 =	sadd.s32 $0xFFFFFFFF, s20;
	[sflag:s19] =	ssyncset.done $0x0  }
.LBB2_1:
0x2b: {  	p0 =	sne.s32 s20, $0x1;
	s20 =	sadd.s32 $0xFFFFFFFF, s20;
	[sflag:s19] =	ssyncadd.s32 $0xFFFF8000  }
0x2c: {  	[tilespmem:s4], [sflag:$0x1] =	stream.linear.gather [hbm4b:s5+s4], $0x100, $0x38;
	[tilespmem:$0x10400] =	vst v63  }
0x2d: {  	_ = 	snop  }
0x2e: {  	[tilespmem:s7], [sflag:$0x2] =	stream.linear.gather [hbm4b:s6+s4], $0x100, $0x38;
	[tilespmem:$0x10400] =	vst v63  }
0x2f: {  	_ =	swait.ge [sflag:s8], $0x100  }
0x30: {  	[sflag:s8] =	ssyncset.done $0x0  }
0x31: {  	[sflag:s8] =	ssyncadd.s32 $0xFFFFFF00  }
0x32: {  	_ =	swait.ge [sflag:s9], $0x100  }
0x33: {  	[sflag:s9] =	ssyncset.done $0x0  }
0x34: {  	[sflag:s9] =	ssyncadd.s32 $0xFFFFFF00  }
0x35: {  	[tilespmem:s11], [sflag:$0x1] =	stream.indirect.gather [hbm4b:s2+s10], $0x80, s4, s10, $0xb8;
	[tilespmem:$0x10400] =	vst v63  }
0x36: {  	_ = 	snop  }
0x37: {  	[tilespmem:s12], [sflag:$0x1] =	stream.indirect.gather [hbm4b:s2+s10], $0x80, s10, s10, $0xb8;
	[tilespmem:$0x10400] =	vst v63  }
0x38: {  	_ = 	snop  }
0x39: {  	[tilespmem:s13], [sflag:$0x2] =	stream.indirect.gather [hbm4b:s3+s10], $0x80, s7, s10, $0xb8;
	[tilespmem:$0x10400] =	vst v63  }
0x3a: {  	_ = 	snop  }
0x3b: {  	[tilespmem:s15], [sflag:$0x2] =	stream.indirect.gather [hbm4b:s3+s10], $0x80, s14, s10, $0xb8;
	[tilespmem:$0x10400] =	vst v63  }
0x3c: {  	_ =	swait.ge [sflag:s8], $0x4000  }
0x3d: {  	[sflag:s8] =	ssyncset.done $0x0  }
0x3e: {  	[sflag:s8] =	ssyncadd.s32 $0xFFFFC000  }
0x3f: {  	_ =	swait.ge [sflag:s8], $0x4000  }
0x40: {  	[sflag:s8] =	ssyncset.done $0x0  }
0x41: {  	[sflag:s8] =	ssyncadd.s32 $0xFFFFC000  }
0x42: {  	[hbm4b:s16+s4] =	stream.linear.scatter [tilespmem:s11], [sflag:$0x3], $0x8000, $0x38;
	[tilespmem:$0x10400] =	vst v63  }
0x43: {  	_ =	swait.ge [sflag:s9], $0x4000  }
0x44: {  	[sflag:s9] =	ssyncset.done $0x0  }
0x45: {  	[sflag:s9] =	ssyncadd.s32 $0xFFFFC000  }
0x46: {  	_ =	swait.ge [sflag:s9], $0x4000  }
0x47: {  	[sflag:s9] =	ssyncset.done $0x0  }
0x48: {  	[sflag:s9] =	ssyncadd.s32 $0xFFFFC000  }
0x49: {  	[hbm4b:s17+s4] =	stream.linear.scatter [tilespmem:s13], [sflag:$0x4], $0x8000, $0x38;
	[tilespmem:$0x10400] =	vst v63  }
.Ltmp1:
0x4a: {  	_ =	swait.ge [sflag:s18], $0x8000;
	(pc) =	sbr.rel @p0 .LBB2_1-.Ltmp1, $4  }
0x4b: {  	[sflag:s18] =	ssyncset.done $0x0  }
0x4c: {  	[sflag:s18] =	ssyncadd.s32 $0xFFFF8000  }
0x4d: {  	_ =	swait.ge [sflag:s19], $0x8000  }
0x4e: {  	[sflag:s19] =	ssyncset.done $0x0  }
.LBB2_2:
0x4f: {  	[sflag:s19] =	ssyncadd.s32 $0xFFFF8000  }
0x50: {  	_ =	sfence.sel $0x180000  }
0x51: {  	[bflag:$0x0] =	sbarrier.arrive $0xFFFF  }
0x52: {  	p0 =	sne.s32 s0, $0x0;
	_ =	strace $0x90000047  }
0x53: {  	s0 =	sadd.s32 @!p0 $0x100000, s1;
	[bflag:$0x2] =	sbarrier.arrive $0xFFFF  }
0x54: {  	[sflag:s0] =	ssyncadd.tile.s32 @!p0 $0x1;
	_ =	shalt  }
.Lfunc_end2:
_tile_overlayer_lowered:
.L_overlay_start_2:
0x55: {  	(tag) =	ssettag $0x2  }
0x56: {  	s0 =	rddreg [dreg:$0x0];
	s2 =	stileid.u32  }
0x57: {  	s1 =	rddreg [dreg:$0x1];
	p0 =	sne.s32 s2, $0x0  }
0x58: {  	s3 =	rddreg [dreg:$0x2];
	[bflag:$0x3] =	sbarrier.arrive $0xFFFF;
	s2 =	simm.s32 @!p0 $0x1C05  }
0x59: {  	[timem:s3], [sflag:s2] =	dma.local @!p0 [hbm:s0], s1  }
0x5a: {  	s0 =	simm.s32 @!p0 $0x5  }
0x5b: {  	_ =	swait.ge @!p0 [sflag:s0], s1  }
0x5c: {  	s1 =	ssub.s32 @!p0 $0x0, s1;
	[sflag:s0] =	ssyncset.done @!p0 $0x0  }
0x5d: {  	[sflag:s0] =	ssyncadd.s32 @!p0 s1  }
0x5e: {  	[bflag:$0x3] =	sbarrier.arrive $0xFFFF  }
0x5f: {  	_ =	shalt  }

// kernel: kernel.9.cloned.1.call-start
scs
__scs_entry_jumppad:
0x0: {  	(pc) =	sbr.rel $0x88, $3  }
0x1: {  	(tag) =	ssettag $0x0;
	lr =	simm.s32 $0x1  }
0x2: {  	[smem:$0x3F97] =	sst lr;
	_ =	strace $0xD0000000  }
0x3: {  	_ = 	snop  }
0x4: {  	_ = 	snop  }
0x5: {  	_ = 	snop  }
0x6: {  	_ = 	snop  }
0x7: {  	_ = 	snop  }
__scs_overlays_trampoline_lowered:
0x8: {  	[smem:$0x3FA6] =	sst s0  }
0x9: {  	[smem:$0x3FA7] =	sst s1  }
0xa: {  	[smem:$0x3FA8] =	sst s2  }
0xb: {  	[smem:$0x3FA9] =	sst s3  }
0xc: {  	[smem:$0x3FAA] =	sst s4  }
0xd: {  	[smem:$0x3FAB] =	sst s5  }
0xe: {  	[smem:$0x3FAC] =	sst s6  }
0xf: {  	[smem:$0x3FAD] =	sst s7  }
0x10: {  	[smem:$0x3FAE] =	sst s8  }
0x11: {  	[smem:$0x3FAF] =	sst s9;
	s0 =	simm.s32 @!p0 $0x0  }
0x12: {  	s1 =	sld [smem:$0x3F95];
	s0 =	simm.s32 @p0 $0x1  }
0x13: {  	[smem:$0x3FB0] =	sst s0;
	s0 =	simm.s32 @!p1 $0x0  }
0x14: {  	s2 =	sld [smem:$0x3F94];
	s0 =	simm.s32 @p1 $0x1  }
0x15: {  	[smem:$0x3FB1] =	sst s0;
	s0 =	simm.s32 @!p2 $0x0  }
0x16: {  	s3 =	sld [smem:$0x3FDB];
	s0 =	simm.s32 @p2 $0x1  }
0x17: {  	s4 =	simm.s32 $0x1BF5;
	[smem:$0x3FB3] =	sst s0  }
0x18: {  	s0 =	sld [smem:$0x3F96];
	_ =	swait.ge [sflag:s4], $0x0  }
0x19: {  	s7 =	sld [smem:$0x3F97]  }
0x1a: {  	s8 =	sadd.s32 $0xFFFFE003, lr  }
0x1b: {  	s9 =	sadd.s32 $0xFFFFFEF7, lr;
	s5 =	simm.s32 $0xFFFFFFFF;
	p2 =	slt.u32 s8, $0xFFFFF086  }
0x1c: {  	p1 =	slt.u32 s9, $0xF7A;
	s5 =	simm.s32 @!p2 $0x0  }
0x1d: {  	s5 =	simm.s32 @p1 $0x1;
	p0 =	seq.s32 s7, s2  }
0x1e: {  	s7 =	smul.u32 @!p0 $0xF7A, s2;
	p2 =	seq.s32 @!p0 s5, $0x0  }
0x1f: {  	s9 =	smul.u32 $0xF7A, s1;
	s8 =	simm.s32 @!p0 $0x1BF5;
	p2 =	por !p2, p0  }
0x20: {  	[sflag:s8] =	ssyncset.s32 @!p0 $0xFFFFF086;
	s6 =	sadd.s32 @!p0 s3, s7;
	s7 =	simm.s32 @!p0 $0x108  }
0x21: {  	s3 =	sadd.s32 s3, s9;
	s6 =	sadd.s32 @!p0 $0x88, s6;
	s7 =	simm.s32 @p2 $0x1082  }
0x22: {  	[simem:s7], [sflag:s8] =	dma.local @!p0 [hbm:s6], $0xF7A  }
0x23: {  	s9 =	sor.u32 $0xD0000000, s2;
	s6 =	simm.s32 $0x108;
	_ =	swait.ge @!p0 [sflag:s8], $0x0  }
0x24: {  	s3 =	sadd.s32 $0x88, s3;
	s6 =	simm.s32 @!p1 $0x1082;
	[sflag:s4] =	ssyncset.s32 $0xFFFFF086  }
0x25: {  	[simem:s6], [sflag:s4] =	dma.local [hbm:s3], $0xF7A  }
0x26: {  	[smem:$0x3F97] =	sst s1;
	(tag) =	ssettag s2;
	_ =	strace s9  }
0x27: {  	s1 =	sld [smem:$0x3FA7]  }
0x28: {  	s2 =	sld [smem:$0x3FA8]  }
0x29: {  	s4 =	sld [smem:$0x3FAA]  }
0x2a: {  	p0 =	seq.s32 s5, $0x0;
	s5 =	sld [smem:$0x3FAB]  }
0x2b: {  	s6 =	sld [smem:$0x3FAC]  }
0x2c: {  	s7 =	sld [smem:$0x3FAD]  }
0x2d: {  	s3 =	simm.s32 $0x108;
	s8 =	sld [smem:$0x3FAE]  }
0x2e: {  	s3 =	simm.s32 @!p0 $0x1082;
	s9 =	sld [smem:$0x3FAF]  }
0x2f: {  	lr =	sadd.s32 s0, s3;
	s0 =	sld [smem:$0x3FA6]  }
0x30: {  	s3 =	sld [smem:$0x3FA9]  }
0x31: {  	[smem:$0x3FB2] =	sst s10  }
0x32: {  	s10 =	sld [smem:$0x3FB0];
	_ =	sdelay $0x3  }
0x33: {  	p0 =	seq.s32 s10, $0x1;
	s10 =	sld [smem:$0x3FB2];
	_ =	sdelay $0x3  }
0x34: {  	[smem:$0x3FB2] =	sst s10  }
0x35: {  	s10 =	sld [smem:$0x3FB1];
	_ =	sdelay $0x3  }
0x36: {  	p1 =	seq.s32 s10, $0x1;
	s10 =	sld [smem:$0x3FB2];
	_ =	sdelay $0x3  }
0x37: {  	[smem:$0x3FB2] =	sst s10  }
0x38: {  	s10 =	sld [smem:$0x3FB3]  }
0x39: {  	_ = 	snop;
	(pc) =	sbr.ind lr, $3  }
0x3a: {  	_ = 	snop  }
0x3b: {  	_ = 	snop  }
0x3c: {  	p2 =	seq.s32 s10, $0x1;
	s10 =	sld [smem:$0x3FB2]  }
0x3d: {  	_ =	shalt  }
0x3e: {  	_ =	shalt  }
0x3f: {  	_ =	shalt  }
0x40: {  	_ =	shalt  }
0x41: {  	_ =	shalt  }
0x42: {  	_ =	shalt  }
0x43: {  	_ =	shalt  }
0x44: {  	_ =	shalt  }
0x45: {  	_ =	shalt  }
0x46: {  	_ =	shalt  }
0x47: {  	_ =	shalt  }
0x48: {  	_ =	shalt  }
0x49: {  	_ =	shalt  }
0x4a: {  	_ =	shalt  }
0x4b: {  	_ =	shalt  }
0x4c: {  	_ =	shalt  }
0x4d: {  	_ =	shalt  }
0x4e: {  	_ =	shalt  }
0x4f: {  	_ =	shalt  }
0x50: {  	_ =	shalt  }
0x51: {  	_ =	shalt  }
0x52: {  	_ =	shalt  }
0x53: {  	_ =	shalt  }
0x54: {  	_ =	shalt  }
0x55: {  	_ =	shalt  }
0x56: {  	_ =	shalt  }
0x57: {  	_ =	shalt  }
0x58: {  	_ =	shalt  }
0x59: {  	_ =	shalt  }
0x5a: {  	_ =	shalt  }
0x5b: {  	_ =	shalt  }
0x5c: {  	_ =	shalt  }
0x5d: {  	_ =	shalt  }
0x5e: {  	_ =	shalt  }
0x5f: {  	_ =	shalt  }
0x60: {  	_ =	shalt  }
0x61: {  	_ =	shalt  }
0x62: {  	_ =	shalt  }
0x63: {  	_ =	shalt  }
0x64: {  	_ =	shalt  }
0x65: {  	_ =	shalt  }
0x66: {  	_ =	shalt  }
0x67: {  	_ =	shalt  }
0x68: {  	_ =	shalt  }
0x69: {  	_ =	shalt  }
0x6a: {  	_ =	shalt  }
0x6b: {  	_ =	shalt  }
0x6c: {  	_ =	shalt  }
0x6d: {  	_ =	shalt  }
0x6e: {  	_ =	shalt  }
0x6f: {  	_ =	shalt  }
0x70: {  	_ =	shalt  }
0x71: {  	_ =	shalt  }
0x72: {  	_ =	shalt  }
0x73: {  	_ =	shalt  }
0x74: {  	_ =	shalt  }
0x75: {  	_ =	shalt  }
0x76: {  	_ =	shalt  }
0x77: {  	_ =	shalt  }
0x78: {  	_ =	shalt  }
0x79: {  	_ =	shalt  }
0x7a: {  	_ =	shalt  }
0x7b: {  	_ =	shalt  }
0x7c: {  	_ =	shalt  }
0x7d: {  	_ =	shalt  }
0x7e: {  	_ =	shalt  }
0x7f: {  	_ =	shalt  }
0x80: {  	_ =	shalt  }
0x81: {  	_ =	shalt  }
0x82: {  	_ =	shalt  }
0x83: {  	_ =	shalt  }
0x84: {  	_ =	shalt  }
0x85: {  	_ =	shalt  }
0x86: {  	_ =	shalt  }
0x87: {  	_ =	shalt  }
.Lfunc_end0:
.L_simem_size_0:
called_computation.1_lowered:
.L_overlay_start_0:
0x88: {  	s2 =	sld [smem:$0x3FD9]  }
0x89: {  	s3 =	sld [smem:$0x3FFE];
	_ =	sdelay $0x1  }
0x8a: {  	s1 =	srdreg.scid  }
0x8b: {  	s0 =	sand.u32 $0x1, s1  }
0x8c: {  	s17 =	sshll.u32 s0, $0xA;
	s2 =	sadd.s32 s3, s2  }
0x8d: {  	s2 =	sadd.s32 s2, s17  }
0x8e: {  	[smem:$0x3FBE] =	sst s2  }
0x8f: {  	_ = 	snop  }
0x90: {  	s18 =	sld [smem:$0x3FC7]  }
0x91: {  	s4 =	sld [smem:$0x3FC6];
	(tm) =	ssettm $0x1  }
0x92: {  	s19 =	sld [smem:$0x3FFB];
	_ =	sdelay $0x3  }
0x93: {  	_ =	strace s19  }
0x94: {  	s2 =	sld [smem:$0x3FFC];
	_ =	sdelay $0x3  }
0x95: {  	_ =	strace s2  }
0x96: {  	s2 =	sld [smem:$0x3FFD];
	_ =	sdelay $0x3  }
0x97: {  	_ =	strace s2  }
0x98: {  	_ =	strace $0x8FFFFFFF  }
0x99: {  	s20 =	sld [smem:$0x3FDB];
	_ =	sdelay $0x1  }
0x9a: {  	s5 =	simm.s32 $_scs_section_size  }
0x9b: {  	s6 =	simm.s32 $_size__tile_overlayer_lowered;
	s7 =	simm.s32 $_tile_overlayer_lowered  }
0x9c: {  	s8 =	simm.s32 $0x1BFF;
	s21 =	sshll.u32 s7, $0x1;
	s5 =	sadd.s32 s5, s20  }
0x9d: {  	s22 =	simm.s32 $0x0;
	s6 =	sshll.u32 s6, $0x1;
	s7 =	sadd.s32 s21, s5  }
0x9e: {  	[timem:s22], [sflag:s8] =	dma.local [hbm:s7], s6  }
0x9f: {  	_ =	swait.ge [sflag:s8], s6  }
0xa0: {  	s6 =	ssub.s32 $0x0, s6;
	[sflag:s8] =	ssyncset.done $0x0  }
0xa1: {  	[sflag:s8] =	ssyncadd.s32 s6;
	_ =	sdelay $0x1  }
0xa2: {  	s23 =	simm.s32 $0x1B8B  }
0xa3: {  	_ =	swait.ge [sflag:s23], $0x1  }
0xa4: {  	[sflag:s23] =	ssyncset.done $0x0  }
0xa5: {  	[sflag:s23] =	ssyncadd.s32 $0xFFFFFFFF  }
0xa6: {  	s6 =	sld [smem:$0x0]  }
0xa7: {  	s7 =	sand.u32 $0xFFFFFFFE, s1  }
0xa8: {  	p0 =	sne.s32 s1, s7  }
0xa9: {  	s7 =	sshll.u32 @p0 s7, $0xE  }
0xaa: {  	s7 =	sadd.s32 @p0 $0x11B8D, s7;
	s8 =	sshll.u32 @p0 s6, $0x11  }
0xab: {  	s7 =	sor.u32 @p0 s8, s7  }
0xac: {  	[sflag:s7] =	ssyncadd.remote.s32 @p0 $0x1;
	_ =	sdelay $0x1  }
0xad: {  	s7 =	simm.s32 @p0 $0x1B8D  }
0xae: {  	_ =	swait.eq @p0 [sflag:s7], $0x1  }
0xaf: {  	[sflag:s7] =	ssyncadd.s32 @p0 $0xFFFFFFFF  }
0xb0: {  	s8 =	sshll.u32 @!p0 s1, $0xE  }
0xb1: {  	s8 =	sor.u32 @!p0 $0x4000, s8;
	s7 =	simm.s32 @!p0 $0x1B8D  }
0xb2: {  	s6 =	sshll.u32 @!p0 s6, $0x11;
	s8 =	sadd.s32 @!p0 $0x11B8D, s8;
	_ =	swait.eq @!p0 [sflag:s7], $0x1  }
0xb3: {  	s6 =	sor.u32 @!p0 s6, s8;
	[sflag:s7] =	ssyncadd.s32 @!p0 $0xFFFFFFFF  }
0xb4: {  	s25 =	simm.s32 $0x1B8E;
	s24 =	sld [smem:$0x3FFE];
	[sflag:s6] =	ssyncadd.remote.s32 @!p0 $0x1  }
0xb5: {  	s26 =	simm.s32 $execute0_lowered;
	[smem:$0x3FD2] =	sst s25  }
0xb6: {  	s7 =	sshll.u32 s26, $0x1;
	_ =	strace $0x80000049;
	[dreg:$0x1] =	wrdreg $0xFFFFFFFF  }
0xb7: {  	s28 =	simm.s32 $_size_execute0_lowered;
	s5 =	sadd.s32 s5, s7;
	[dreg:$0x0] =	wrdreg $0x0  }
0xb8: {  	s7 =	sshll.u32 s28, $0x1;
	[dreg:$0x2] =	wrdreg s5  }
0xb9: {  	[dreg:$0x3] =	wrdreg s7  }
0xba: {  	[dreg:$0x4] =	wrdreg $0xC0  }
0xbb: {  	_ =	task [dreg:s22], $0x5FFFF  }
0xbc: {  	[dreg:$0x1] =	wrdreg $0xFFFFFFFF  }
0xbd: {  	[dreg:$0x0] =	wrdreg $0x60  }
0xbe: {  	[dreg:$0x2] =	wrdreg s24  }
0xbf: {  	[dreg:$0x3] =	wrdreg s18  }
0xc0: {  	[dreg:$0x4] =	wrdreg s4  }
0xc1: {  	[dreg:$0x5] =	wrdreg $0xA  }
0xc2: {  	_ =	task.clear_ibuf [dreg:s22], $0x6FFFF;
	_ =	strace $0x90000049  }
0xc3: {  	s29 =	simm.s32 $0xA;
	_ =	strace $0x8000004B  }
0xc4: {  	_ =	swait.ge [sflag:s29], $0x1  }
0xc5: {  	[sflag:s29] =	ssyncadd.s32 $0xFFFFFFFF  }
0xc6: {  	_ =	strace $0x9000004B  }
0xc7: {  	_ =	sfence  }
0xc8: {  	s30 =	sld [smem:$0x0];
	_ =	sdelay $0x2  }
0xc9: {  	s31 =	sshll.u32 s1, $0xD;
	s1 =	sshrl.u32 s1, $0x2  }
0xca: {  	s4 =	sand.u32 $0x4000, s31;
	s1 =	sadd.s32 s1, s30  }
0xcb: {  	s0 =	sor.u32 s4, s0;
	s1 =	sshll.u32 s1, $0x11  }
0xcc: {  	s0 =	sor.u32 s1, s0  }
0xcd: {  	s0 =	sadd.s32 $0x8F2B, s0  }
0xce: {  	[sflag:s0] =	ssyncadd.remote.s32 $0x1  }
0xcf: {  	_ =	sfence.sel $0xFFFF  }
0xd0: {  	[dreg:$0x0] =	wrdreg $0xFFFFFFFF;
	(pc) =	sbr.abs _section_cstart, $3  }
0xd1: {  	[dreg:$0x1] =	wrdreg $0xFFFFFFFF  }
0xd2: {  	_ =	task.clear_ibuf [dreg:s22], $0x2FFFF;
	_ =	strace $0x9FFFFFFF  }
0xd3: {  	(tm) =	ssettm $0x7FFFFFFF  }
tec
execute0_lowered:
.L_overlay_start_1:
0x0: {  	(tag) =	ssettag $0x1  }
0x1: {  	s1 =	srdreg.scid  }
0x2: {  	s0 =	stileid.u32;
	s17 =	sand.u32 $0x1, s1  }
0x3: {  	s16 =	rddreg [dreg:$0x0];
	s31 =	sshll.u32 s0, $0x9;
	s4 =	sshll.u32 s17, $0x8  }
0x4: {  	s2 =	rddreg [dreg:$0x1];
	s18 =	sor.u32 s4, s31  }
0x5: {  	s3 =	rddreg [dreg:$0x2];
	s4 =	simm.s32 $0x0;
	s5 =	sshrl.u32 s18, $0x3  }
0x6: {  	[smem:$0x7FF] =	sst s4;
	s6 =	sadd.s32 s5, s16  }
0x7: {  	s1 =	rddreg [dreg:$0x3];
	_ =	strace $0x8000004A;
	s5 =	sadd.s32 $0x2E00, s6  }
0x8: {  	[tilespmem:s4], [sflag:$0x1] =	stream.linear.gather [hbm4b:s5+s4], $0x100, $0x38;
	[tilespmem:$0x10400] =	vst v63  }
0x9: {  	s7 =	simm.s32 $0x200;
	s8 =	simm.s32 $0x1;
	s6 =	sadd.s32 $0x2A00, s6  }
0xa: {  	[tilespmem:s7], [sflag:$0x2] =	stream.linear.gather [hbm4b:s6+s4], $0x100, $0x38;
	[tilespmem:$0x10400] =	vst v63  }
0xb: {  	_ =	swait.ge [sflag:s8], $0x100  }
0xc: {  	[sflag:s8] =	ssyncset.done $0x0  }
0xd: {  	s9 =	simm.s32 $0x2;
	[sflag:s8] =	ssyncadd.s32 $0xFFFFFF00  }
0xe: {  	_ =	swait.ge [sflag:s9], $0x100  }
0xf: {  	[sflag:s9] =	ssyncset.done $0x0  }
0x10: {  	s10 =	simm.s32 $0x80;
	s11 =	simm.s32 $0x400;
	[sflag:s9] =	ssyncadd.s32 $0xFFFFFF00  }
0x11: {  	[tilespmem:s11], [sflag:$0x1] =	stream.indirect.gather [hbm4b:s2+s10], $0x80, s4, s10, $0xb8;
	[tilespmem:$0x10400] =	vst v63  }
0x12: {  	s12 =	simm.s32 $0x4400  }
0x13: {  	[tilespmem:s12], [sflag:$0x1] =	stream.indirect.gather [hbm4b:s2+s10], $0x80, s10, s10, $0xb8;
	[tilespmem:$0x10400] =	vst v63  }
0x14: {  	s13 =	simm.s32 $0x8400  }
0x15: {  	[tilespmem:s13], [sflag:$0x2] =	stream.indirect.gather [hbm4b:s3+s10], $0x80, s7, s10, $0xb8;
	[tilespmem:$0x10400] =	vst v63  }
0x16: {  	s14 =	simm.s32 $0x280;
	s15 =	simm.s32 $0xC400  }
0x17: {  	[tilespmem:s15], [sflag:$0x2] =	stream.indirect.gather [hbm4b:s3+s10], $0x80, s14, s10, $0xb8;
	[tilespmem:$0x10400] =	vst v63  }
0x18: {  	_ =	swait.ge [sflag:s8], $0x4000  }
0x19: {  	[sflag:s8] =	ssyncset.done $0x0  }
0x1a: {  	[sflag:s8] =	ssyncadd.s32 $0xFFFFC000  }
0x1b: {  	s18 =	sshll.u32 s18, $0x4;
	_ =	swait.ge [sflag:s8], $0x4000  }
0x1c: {  	s18 =	sadd.s32 s18, s16;
	[sflag:s8] =	ssyncset.done $0x0  }
0x1d: {  	s16 =	sadd.s32 $0x43200, s18;
	[sflag:s8] =	ssyncadd.s32 $0xFFFFC000  }
0x1e: {  	[hbm4b:s16+s4] =	stream.linear.scatter [tilespmem:s11], [sflag:$0x3], $0x8000, $0x38;
	[tilespmem:$0x10400] =	vst v63  }
0x1f: {  	_ =	swait.ge [sflag:s9], $0x4000  }
0x20: {  	s19 =	ssub.s32 $0x2, s17;
	[sflag:s9] =	ssyncset.done $0x0  }
0x21: {  	s20 =	sshrl.u32 s19, $0x1;
	[sflag:s9] =	ssyncadd.s32 $0xFFFFC000  }
0x22: {  	s19 =	ssub.s32 s19, s20;
	_ =	swait.ge [sflag:s9], $0x4000  }
0x23: {  	s20 =	smax.u32 s19, $0x1;
	s17 =	sadd.s32 $0x63200, s18;
	[sflag:s9] =	ssyncset.done $0x0  }
0x24: {  	s18 =	simm.s32 $0x3;
	p0 =	sne.s32 s20, $0x1;
	[sflag:s9] =	ssyncadd.s32 $0xFFFFC000  }
0x25: {  	[hbm4b:s17+s4] =	stream.linear.scatter [tilespmem:s13], [sflag:$0x4], $0x8000, $0x38;
	[tilespmem:$0x10400] =	vst v63  }
.Ltmp0:
0x26: {  	_ =	swait.ge [sflag:s18], $0x8000;
	(pc) =	sbr.rel @!p0 .LBB2_2-.Ltmp0, $4  }
0x27: {  	[sflag:s18] =	ssyncset.done $0x0  }
0x28: {  	s19 =	simm.s32 $0x4;
	[sflag:s18] =	ssyncadd.s32 $0xFFFF8000  }
0x29: {  	_ =	swait.ge [sflag:s19], $0x8000  }
0x2a: {  	s20 =	sadd.s32 $0xFFFFFFFF, s20;
	[sflag:s19] =	ssyncset.done $0x0  }
.LBB2_1:
0x2b: {  	p0 =	sne.s32 s20, $0x1;
	s20 =	sadd.s32 $0xFFFFFFFF, s20;
	[sflag:s19] =	ssyncadd.s32 $0xFFFF8000  }
0x2c: {  	[tilespmem:s4], [sflag:$0x1] =	stream.linear.gather [hbm4b:s5+s4], $0x100, $0x38;
	[tilespmem:$0x10400] =	vst v63  }
0x2d: {  	_ = 	snop  }
0x2e: {  	[tilespmem:s7], [sflag:$0x2] =	stream.linear.gather [hbm4b:s6+s4], $0x100, $0x38;
	[tilespmem:$0x10400] =	vst v63  }
0x2f: {  	_ =	swait.ge [sflag:s8], $0x100  }
0x30: {  	[sflag:s8] =	ssyncset.done $0x0  }
0x31: {  	[sflag:s8] =	ssyncadd.s32 $0xFFFFFF00  }
0x32: {  	_ =	swait.ge [sflag:s9], $0x100  }
0x33: {  	[sflag:s9] =	ssyncset.done $0x0  }
0x34: {  	[sflag:s9] =	ssyncadd.s32 $0xFFFFFF00  }
0x35: {  	[tilespmem:s11], [sflag:$0x1] =	stream.indirect.gather [hbm4b:s2+s10], $0x80, s4, s10, $0xb8;
	[tilespmem:$0x10400] =	vst v63  }
0x36: {  	_ = 	snop  }
0x37: {  	[tilespmem:s12], [sflag:$0x1] =	stream.indirect.gather [hbm4b:s2+s10], $0x80, s10, s10, $0xb8;
	[tilespmem:$0x10400] =	vst v63  }
0x38: {  	_ = 	snop  }
0x39: {  	[tilespmem:s13], [sflag:$0x2] =	stream.indirect.gather [hbm4b:s3+s10], $0x80, s7, s10, $0xb8;
	[tilespmem:$0x10400] =	vst v63  }
0x3a: {  	_ = 	snop  }
0x3b: {  	[tilespmem:s15], [sflag:$0x2] =	stream.indirect.gather [hbm4b:s3+s10], $0x80, s14, s10, $0xb8;
	[tilespmem:$0x10400] =	vst v63  }
0x3c: {  	_ =	swait.ge [sflag:s8], $0x4000  }
0x3d: {  	[sflag:s8] =	ssyncset.done $0x0  }
0x3e: {  	[sflag:s8] =	ssyncadd.s32 $0xFFFFC000  }
0x3f: {  	_ =	swait.ge [sflag:s8], $0x4000  }
0x40: {  	[sflag:s8] =	ssyncset.done $0x0  }
0x41: {  	[sflag:s8] =	ssyncadd.s32 $0xFFFFC000  }
0x42: {  	[hbm4b:s16+s4] =	stream.linear.scatter [tilespmem:s11], [sflag:$0x3], $0x8000, $0x38;
	[tilespmem:$0x10400] =	vst v63  }
0x43: {  	_ =	swait.ge [sflag:s9], $0x4000  }
0x44: {  	[sflag:s9] =	ssyncset.done $0x0  }
0x45: {  	[sflag:s9] =	ssyncadd.s32 $0xFFFFC000  }
0x46: {  	_ =	swait.ge [sflag:s9], $0x4000  }
0x47: {  	[sflag:s9] =	ssyncset.done $0x0  }
0x48: {  	[sflag:s9] =	ssyncadd.s32 $0xFFFFC000  }
0x49: {  	[hbm4b:s17+s4] =	stream.linear.scatter [tilespmem:s13], [sflag:$0x4], $0x8000, $0x38;
	[tilespmem:$0x10400] =	vst v63  }
.Ltmp1:
0x4a: {  	_ =	swait.ge [sflag:s18], $0x8000;
	(pc) =	sbr.rel @p0 .LBB2_1-.Ltmp1, $4  }
0x4b: {  	[sflag:s18] =	ssyncset.done $0x0  }
0x4c: {  	[sflag:s18] =	ssyncadd.s32 $0xFFFF8000  }
0x4d: {  	_ =	swait.ge [sflag:s19], $0x8000  }
0x4e: {  	[sflag:s19] =	ssyncset.done $0x0  }
.LBB2_2:
0x4f: {  	[sflag:s19] =	ssyncadd.s32 $0xFFFF8000  }
0x50: {  	_ =	sfence.sel $0x180000  }
0x51: {  	[bflag:$0x0] =	sbarrier.arrive $0xFFFF  }
0x52: {  	p0 =	sne.s32 s0, $0x0;
	_ =	strace $0x9000004A  }
0x53: {  	s0 =	sadd.s32 @!p0 $0x100000, s1;
	[bflag:$0x2] =	sbarrier.arrive $0xFFFF  }
0x54: {  	[sflag:s0] =	ssyncadd.tile.s32 @!p0 $0x1;
	_ =	shalt  }
.Lfunc_end2:
_tile_overlayer_lowered:
.L_overlay_start_2:
0x55: {  	(tag) =	ssettag $0x2  }
0x56: {  	s0 =	rddreg [dreg:$0x0];
	s2 =	stileid.u32  }
0x57: {  	s1 =	rddreg [dreg:$0x1];
	p0 =	sne.s32 s2, $0x0  }
0x58: {  	s3 =	rddreg [dreg:$0x2];
	[bflag:$0x3] =	sbarrier.arrive $0xFFFF;
	s2 =	simm.s32 @!p0 $0x1C05  }
0x59: {  	[timem:s3], [sflag:s2] =	dma.local @!p0 [hbm:s0], s1  }
0x5a: {  	s0 =	simm.s32 @!p0 $0x5  }
0x5b: {  	_ =	swait.ge @!p0 [sflag:s0], s1  }
0x5c: {  	s1 =	ssub.s32 @!p0 $0x0, s1;
	[sflag:s0] =	ssyncset.done @!p0 $0x0  }
0x5d: {  	[sflag:s0] =	ssyncadd.s32 @!p0 s1  }
0x5e: {  	[bflag:$0x3] =	sbarrier.arrive $0xFFFF  }
0x5f: {  	_ =	shalt  }

</sc_bundles>
